<compile_context>
chip_gen: v7x
topology: tpu7x:2x2x1
jax: 0.10.2.dev20260603
libtpu: 0.0.44.dev20260713+nightly
codegen_flags: <defaults>
</compile_context>

<pallas_src>
import functools

import jax
import jax.numpy as jnp
from jax import lax
from jax.experimental import pallas as pl
from jax.experimental.pallas import tpu as pltpu
from jax.experimental.pallas import tpu_sc as plsc

NC = 2
NS = 16
LANES = 16
NW = NC * NS



def _proj_body(x_ref, w_ref, os_ref, od_ref, on_ref):
    d = x_ref.shape[1]
    r = jnp.dot(x_ref[...], w_ref[...], preferred_element_type=jnp.float32)
    os_ref[...] = r[:, :d]
    od_ref[...] = r[:, d:2 * d]
    on_ref[...] = r[:, 2 * d:]


def _proj(x, wcat, block_n=2000):
    n, d = x.shape
    k = wcat.shape[1]
    return pl.pallas_call(
        _proj_body,
        grid=(n // block_n,),
        in_specs=[
            pl.BlockSpec((block_n, d), lambda i: (i, 0)),
            pl.BlockSpec((d, k), lambda i: (0, 0)),
        ],
        out_specs=[
            pl.BlockSpec((block_n, d), lambda i: (i, 0)),
            pl.BlockSpec((block_n, d), lambda i: (i, 0)),
            pl.BlockSpec((block_n, d), lambda i: (i, 0)),
        ],
        out_shape=[
            jax.ShapeDtypeStruct((n, d), jnp.float32),
            jax.ShapeDtypeStruct((n, d), jnp.float32),
            jax.ShapeDtypeStruct((n, d), jnp.float32),
        ],
    )(x, wcat)



def _gather_sum(ps, pd, src, dst, chunk=200):
    e = src.shape[0]
    d = ps.shape[1]
    per_w = e // NW
    iters = per_w // chunk
    mesh = plsc.VectorSubcoreMesh(core_axis_name="c", subcore_axis_name="s")

    @functools.partial(
        pl.kernel, mesh=mesh,
        out_type=jax.ShapeDtypeStruct((e, d), jnp.float32),
        scratch_types=[
            [pltpu.VMEM((chunk,), jnp.int32)] * 2,
            [pltpu.VMEM((chunk,), jnp.int32)] * 2,
            [pltpu.VMEM((chunk, d), jnp.float32)] * 2,
            [pltpu.VMEM((chunk, d), jnp.float32)] * 2,
            [pltpu.SemaphoreType.DMA] * 2,
            [pltpu.SemaphoreType.DMA] * 2,
        ],
    )
    def k(ps_hbm, pd_hbm, src_hbm, dst_hbm, out_hbm,
          si_v, di_v, rs_v, rd_v, sem_s, sem_d):
        wid = lax.axis_index("s") * NC + lax.axis_index("c")
        w_base = wid * per_w

        def fire(i, b):
            base = w_base + i * chunk
            pltpu.sync_copy(src_hbm.at[pl.ds(base, chunk)], si_v[b])
            pltpu.sync_copy(dst_hbm.at[pl.ds(base, chunk)], di_v[b])
            pltpu.async_copy(ps_hbm.at[si_v[b]], rs_v[b], sem_s[b])
            pltpu.async_copy(pd_hbm.at[di_v[b]], rd_v[b], sem_d[b])

        fire(0, 0)

        @pl.loop(0, iters, step=2)
        def outer(i0):
            for b in range(2):
                i = i0 + b

                @pl.when(i < iters)
                def _():
                    @pl.when(i + 1 < iters)
                    def _():
                        fire(i + 1, 1 - b)

                    pltpu.make_async_copy(ps_hbm.at[si_v[b]], rs_v[b],
                                          sem_s[b]).wait()
                    pltpu.make_async_copy(pd_hbm.at[di_v[b]], rd_v[b],
                                          sem_d[b]).wait()

                    def addrow(r, c2):
                        for j in range(d // LANES):
                            sl = pl.ds(j * LANES, LANES)
                            rs_v[b][r, sl] = rs_v[b][r, sl] + rd_v[b][r, sl]
                        return c2

                    lax.fori_loop(0, chunk, addrow, 0)
                    base = w_base + i * chunk
                    pltpu.sync_copy(rs_v[b], out_hbm.at[pl.ds(base, chunk)])

    return k(ps, pd, src, dst)



def _edge_mlp(gsum, ea, w1a, b1e, w2e, b2e, block_e=8000):
    e, d = gsum.shape
    de = ea.shape[1]

    def body(g_ref, ea_ref, w1a_ref, b1_ref, w2_ref, b2_ref, o_ref, op_ref):
        h = (g_ref[...]
             + jnp.dot(ea_ref[...], w1a_ref[...],
                       preferred_element_type=jnp.float32)
             + b1_ref[...])
        h = jnp.maximum(h, 0.0)
        out = jnp.dot(h, w2_ref[...],
                      preferred_element_type=jnp.float32) + b2_ref[...]
        o_ref[...] = out
        out3 = out.reshape(block_e // 8, 8, de)
        op_ref[...] = jnp.concatenate([out3[:, a, :] for a in range(8)],
                                      axis=-1)

    return pl.pallas_call(
        body,
        grid=(e // block_e,),
        in_specs=[
            pl.BlockSpec((block_e, d), lambda i: (i, 0)),
            pl.BlockSpec((block_e, de), lambda i: (i, 0)),
            pl.BlockSpec((de, d), lambda i: (0, 0)),
            pl.BlockSpec((1, d), lambda i: (0, 0)),
            pl.BlockSpec((d, de), lambda i: (0, 0)),
            pl.BlockSpec((1, de), lambda i: (0, 0)),
        ],
        out_specs=[
            pl.BlockSpec((block_e, de), lambda i: (i, 0)),
            pl.BlockSpec((block_e // 8, 8 * de), lambda i: (i, 0)),
        ],
        out_shape=[
            jax.ShapeDtypeStruct((e, de), jnp.float32),
            jax.ShapeDtypeStruct((e // 8, 8 * de), jnp.float32),
        ],
    )(gsum, ea, w1a, b1e, w2e, b2e)



def _scatter_partials(new_ea, dst, n_nodes, chunk=400):
    e, de = new_ea.shape
    per_w = e // NW
    iters = per_w // chunk
    n_pad = ((n_nodes + 8 * NS - 1) // (8 * NS)) * (8 * NS)
    rows_per_tile = n_pad // NS
    mesh = plsc.VectorSubcoreMesh(core_axis_name="c", subcore_axis_name="s")

    @functools.partial(
        pl.kernel, mesh=mesh,
        out_type=[jax.ShapeDtypeStruct((NC * n_pad, de), jnp.float32),
                  jax.ShapeDtypeStruct((NC * n_pad, de), jnp.float32)],
        scratch_types=[
            pltpu.VMEM((chunk,), jnp.int32),
            pltpu.VMEM((chunk, de), jnp.float32),
            pltpu.VMEM((chunk, de), jnp.float32),
            pltpu.VMEM_SHARED((n_pad, de), jnp.float32),
            pltpu.VMEM_SHARED((n_pad, de), jnp.float32),
        ],
        compiler_params=pltpu.CompilerParams(use_tc_tiling_on_sc=False),
    )
    def k(ea_hbm, dst_hbm, z_hbm, ones_hbm, agg_hbm, cnt_hbm,
          di_v, vals_v, ones_v, agg_sh, cnt_sh):
        c = lax.axis_index("c")
        s = lax.axis_index("s")
        wid = s * NC + c

        pltpu.sync_copy(ones_hbm, ones_v)
        tile_base = s * rows_per_tile
        pltpu.sync_copy(z_hbm, agg_sh.at[pl.ds(tile_base, rows_per_tile)])
        pltpu.sync_copy(z_hbm, cnt_sh.at[pl.ds(tile_base, rows_per_tile)])
        plsc.subcore_barrier()

        w_base = wid * per_w

        def body(i, carry):
            base = w_base + i * chunk
            pltpu.sync_copy(dst_hbm.at[pl.ds(base, chunk)], di_v)
            pltpu.sync_copy(ea_hbm.at[pl.ds(base, chunk)], vals_v)
            pltpu.sync_copy(vals_v, agg_sh.at[di_v], add=True)
            pltpu.sync_copy(ones_v, cnt_sh.at[di_v], add=True)
            return carry

        lax.fori_loop(0, iters, body, 0)
        plsc.subcore_barrier()

        out_base = c * n_pad + tile_base
        pltpu.sync_copy(agg_sh.at[pl.ds(tile_base, rows_per_tile)],
                        agg_hbm.at[pl.ds(out_base, rows_per_tile)])
        pltpu.sync_copy(cnt_sh.at[pl.ds(tile_base, rows_per_tile)],
                        cnt_hbm.at[pl.ds(out_base, rows_per_tile)])

    zeros2d = jnp.zeros((rows_per_tile, de), jnp.float32)
    ones2d = jnp.ones((chunk, de), jnp.float32)
    return k(new_ea, dst, zeros2d, ones2d)



def _node_mlp(pxn, aggp, cntp, w1a, b1n, w2n, b2n, block_n=2000):
    n, d = pxn.shape
    de = aggp.shape[2]

    def body(pxn_ref, aggp_ref, cntp_ref, w1a_ref, b1_ref, w2_ref, b2_ref,
             o_ref):
        agg = aggp_ref[0] + aggp_ref[1]
        cnt = cntp_ref[0, :, 0:1] + cntp_ref[1, :, 0:1]
        aggm = agg / jnp.maximum(cnt, 1.0)
        h = (pxn_ref[...]
             + jnp.dot(aggm, w1a_ref[...], preferred_element_type=jnp.float32)
             + b1_ref[...])
        h = jnp.maximum(h, 0.0)
        o_ref[...] = jnp.dot(h, w2_ref[...],
                             preferred_element_type=jnp.float32) + b2_ref[...]

    return pl.pallas_call(
        body,
        grid=(n // block_n,),
        in_specs=[
            pl.BlockSpec((block_n, d), lambda i: (i, 0)),
            pl.BlockSpec((2, block_n, de), lambda i: (0, i, 0)),
            pl.BlockSpec((2, block_n, de), lambda i: (0, i, 0)),
            pl.BlockSpec((de, d), lambda i: (0, 0)),
            pl.BlockSpec((1, d), lambda i: (0, 0)),
            pl.BlockSpec((d, d), lambda i: (0, 0)),
            pl.BlockSpec((1, d), lambda i: (0, 0)),
        ],
        out_specs=pl.BlockSpec((block_n, d), lambda i: (i, 0)),
        out_shape=jax.ShapeDtypeStruct((n, d), jnp.float32),
    )(pxn, aggp, cntp, w1a, b1n, w2n, b2n)



def kernel(x, edge_index, edge_attr, W1e, b1e, W2e, b2e, W1n, b1n, W2n, b2n):
    n, d = x.shape
    e, de = edge_attr.shape
    src = edge_index[0]
    dst = edge_index[1]

    wcat = jnp.concatenate([W1e[:d], W1e[d:2 * d], W1n[:d]], axis=1)
    ps, pd_, pxn = _proj(x, wcat)

    gsum = _gather_sum(ps, pd_, src, dst)
    new_ea, new_ea_packed = _edge_mlp(gsum, edge_attr, W1e[2 * d:],
                                      b1e.reshape(1, d), W2e,
                                      b2e.reshape(1, de))
    aggp, cntp = _scatter_partials(new_ea_packed.reshape(e, de), dst, n)
    n_pad = aggp.shape[0] // NC
    new_x = _node_mlp(pxn, aggp.reshape(NC, n_pad, de),
                      cntp.reshape(NC, n_pad, de),
                      W1n[d:], b1n.reshape(1, d), W2n, b2n.reshape(1, d))
    return (new_x, new_ea)

# --- scband reference (transcript-rebuilt; emitter-appended) ---
"""Pipeline reference for scband-meta-layer-13108240188140 (READ-ONLY COPY).

The authoritative reference and input builder live on the scoring server;
editing this copy changes nothing except your own understanding.
"""

import jax, jax.numpy as jnp
import numpy as np

N = 10000
E = 320000
D_FEAT = 128
D_EDGE = 16
HIDDEN = 128


def setup_inputs(seed: int = 0) -> dict:
    key = jax.random.key(seed)
    ks = jax.random.split(key, 12)
    x = jax.random.normal(ks[0], (N, D_FEAT), dtype=jnp.float32)
    edge_index = jax.random.randint(ks[1], (2, E), 0, N, dtype=jnp.int64 if jax.config.jax_enable_x64 else jnp.int32).astype(jnp.int32)
    edge_attr = jax.random.normal(ks[2], (E, D_EDGE), dtype=jnp.float32)
    # edge model MLP: [src_x | dest_x | edge_attr] -> hidden -> d_edge
    ein = 2 * D_FEAT + D_EDGE
    W1e = jax.random.normal(ks[3], (ein, HIDDEN), dtype=jnp.float32) * (1.0 / np.sqrt(ein))
    b1e = jnp.zeros((HIDDEN,), dtype=jnp.float32)
    W2e = jax.random.normal(ks[4], (HIDDEN, D_EDGE), dtype=jnp.float32) * (1.0 / np.sqrt(HIDDEN))
    b2e = jnp.zeros((D_EDGE,), dtype=jnp.float32)
    # node model MLP: [x | agg_edge] -> hidden -> d_feat
    nin = D_FEAT + D_EDGE
    W1n = jax.random.normal(ks[5], (nin, HIDDEN), dtype=jnp.float32) * (1.0 / np.sqrt(nin))
    b1n = jnp.zeros((HIDDEN,), dtype=jnp.float32)
    W2n = jax.random.normal(ks[6], (HIDDEN, D_FEAT), dtype=jnp.float32) * (1.0 / np.sqrt(HIDDEN))
    b2n = jnp.zeros((D_FEAT,), dtype=jnp.float32)
    return {"x": x, "edge_index": edge_index, "edge_attr": edge_attr,
            "W1e": W1e, "b1e": b1e, "W2e": W2e, "b2e": b2e,
            "W1n": W1n, "b1n": b1n, "W2n": W2n, "b2n": b2n}


def reference(x, edge_index, edge_attr, W1e, b1e, W2e, b2e, W1n, b1n, W2n, b2n):
    src = edge_index[0]
    dest = edge_index[1]
    # edge_model(x[src], x[dest], edge_attr, batch)
    e_in = jnp.concatenate([x[src], x[dest], edge_attr], axis=-1)
    h_e = jax.nn.relu(e_in @ W1e + b1e)
    new_edge_attr = h_e @ W2e + b2e
    # node_model(x, edge_index, edge_attr, batch): scatter-mean edges into dst nodes, then MLP
    agg = jax.ops.segment_sum(new_edge_attr, dest, num_segments=N)
    cnt = jax.ops.segment_sum(jnp.ones((E, 1), dtype=jnp.float32), dest, num_segments=N)
    agg = agg / jnp.maximum(cnt, 1.0)
    n_in = jnp.concatenate([x, agg], axis=-1)
    h_n = jax.nn.relu(n_in @ W1n + b1n)
    new_x = h_n @ W2n + b2n
    return (new_x, new_edge_attr)

if __name__ == "__main__":
    import jax
    _d = setup_inputs()
    print(jax.jit(kernel)(*tuple(_d.values())))

</pallas_src>

<mosaic_0001>
#map = affine_map<(d0, d1) -> (0, 0)>
#map1 = affine_map<(d0, d1) -> (0)>
module attributes {stable_mosaic.version = 14 : i64} {
  func.func @k(%arg0: i32, %arg1: i32, %arg2: memref<320000x16xf32, #tpu.memory_space<hbm>>, %arg3: memref<320000xi32, #tpu.memory_space<hbm>>, %arg4: memref<632x16xf32, #tpu.memory_space<hbm>>, %arg5: memref<400x16xf32, #tpu.memory_space<hbm>>, %arg6: memref<20224x16xf32, #tpu.memory_space<hbm>>, %arg7: memref<20224x16xf32, #tpu.memory_space<hbm>>, %arg8: memref<400xi32, #tpu.memory_space<vmem>>, %arg9: memref<400x16xf32, #tpu.memory_space<vmem>>, %arg10: memref<400x16xf32, #tpu.memory_space<vmem>>, %arg11: memref<10112x16xf32, #tpu.memory_space<vmem_shared>>, %arg12: memref<10112x16xf32, #tpu.memory_space<vmem_shared>>) attributes {dimension_semantics = [#tpu.dimension_semantics<core_parallel>, #tpu.dimension_semantics<subcore_parallel>], iteration_bounds = array<i64: 2, 16>, scalar_prefetch = 0 : i64, scratch_operands = 5 : i64, tpu.core_type = #tpu.core_type<sc_vector_subcore>, window_params = [{transform_indices = #map}, {transform_indices = #map1}, {transform_indices = #map}, {transform_indices = #map}, {transform_indices = #map}, {transform_indices = #map}]} {
    %mul3A = arith.constant 2 : i32
    %mul3A_0 = arith.muli %arg1, %mul3A : i32
    %add3A = arith.addi %mul3A_0, %arg0 : i32
    "tpu.region"() ({
      %run_scoped3A = tpu.sem_alloc : memref<!tpu.dma_semaphore, #tpu.memory_space<semaphore_mem>>
      tpu.enqueue_dma source(%arg5 : memref<400x16xf32, #tpu.memory_space<hbm>>) target(%arg10 : memref<400x16xf32, #tpu.memory_space<vmem>>) target_semaphore(%run_scoped3A : memref<!tpu.dma_semaphore, #tpu.memory_space<semaphore_mem>>)
      tpu.wait_dma2 semaphore(%run_scoped3A : memref<!tpu.dma_semaphore, #tpu.memory_space<semaphore_mem>>) src(%arg5 : memref<400x16xf32, #tpu.memory_space<hbm>>) dst(%arg10 : memref<400x16xf32, #tpu.memory_space<vmem>>)
      tpu.yield
    }) : () -> ()
    %mul3A_1 = arith.constant 632 : i32
    %mul3A_2 = arith.muli %arg1, %mul3A_1 : i32
    "tpu.region"() ({
      %run_scoped3A = tpu.sem_alloc : memref<!tpu.dma_semaphore, #tpu.memory_space<semaphore_mem>>
      %dma_start3A = arith.constant 0 : i32
      %dma_start3A_14 = tpu.memref_slice %arg11[%mul3A_2, %dma_start3A] : memref<10112x16xf32, #tpu.memory_space<vmem_shared>> -> memref<632x16xf32, #tpu.memory_space<vmem_shared>>
      tpu.enqueue_dma source(%arg4 : memref<632x16xf32, #tpu.memory_space<hbm>>) target(%dma_start3A_14 : memref<632x16xf32, #tpu.memory_space<vmem_shared>>) target_semaphore(%run_scoped3A : memref<!tpu.dma_semaphore, #tpu.memory_space<semaphore_mem>>)
      %dma_wait3A = arith.constant 0 : i32
      %dma_wait3A_15 = tpu.memref_slice %arg11[%mul3A_2, %dma_wait3A] : memref<10112x16xf32, #tpu.memory_space<vmem_shared>> -> memref<632x16xf32, #tpu.memory_space<vmem_shared>>
      tpu.wait_dma2 semaphore(%run_scoped3A : memref<!tpu.dma_semaphore, #tpu.memory_space<semaphore_mem>>) src(%arg4 : memref<632x16xf32, #tpu.memory_space<hbm>>) dst(%dma_wait3A_15 : memref<632x16xf32, #tpu.memory_space<vmem_shared>>)
      tpu.yield
    }) : () -> ()
    "tpu.region"() ({
      %run_scoped3A = tpu.sem_alloc : memref<!tpu.dma_semaphore, #tpu.memory_space<semaphore_mem>>
      %dma_start3A = arith.constant 0 : i32
      %dma_start3A_14 = tpu.memref_slice %arg12[%mul3A_2, %dma_start3A] : memref<10112x16xf32, #tpu.memory_space<vmem_shared>> -> memref<632x16xf32, #tpu.memory_space<vmem_shared>>
      tpu.enqueue_dma source(%arg4 : memref<632x16xf32, #tpu.memory_space<hbm>>) target(%dma_start3A_14 : memref<632x16xf32, #tpu.memory_space<vmem_shared>>) target_semaphore(%run_scoped3A : memref<!tpu.dma_semaphore, #tpu.memory_space<semaphore_mem>>)
      %dma_wait3A = arith.constant 0 : i32
      %dma_wait3A_15 = tpu.memref_slice %arg12[%mul3A_2, %dma_wait3A] : memref<10112x16xf32, #tpu.memory_space<vmem_shared>> -> memref<632x16xf32, #tpu.memory_space<vmem_shared>>
      tpu.wait_dma2 semaphore(%run_scoped3A : memref<!tpu.dma_semaphore, #tpu.memory_space<semaphore_mem>>) src(%arg4 : memref<632x16xf32, #tpu.memory_space<hbm>>) dst(%dma_wait3A_15 : memref<632x16xf32, #tpu.memory_space<vmem_shared>>)
      tpu.yield
    }) : () -> ()
    %barrier3A = arith.constant 0 : index
    tpu.barrier barrier_id(%barrier3A)
    %mul3A_3 = arith.constant 10000 : i32
    %mul3A_4 = arith.muli %add3A, %mul3A_3 : i32
    %scan3A = arith.constant 0 : i32
    %scan3A_5 = arith.constant 0 : i32
    %scan3A_6 = arith.constant 25 : i32
    %scan3A_7 = arith.addi %scan3A_5, %scan3A_6 : i32
    %scan3A_8 = arith.constant 1 : i32
    scf.for %scan3A_14 = %scan3A_5 to %scan3A_7 step %scan3A_8  : i32 {
      %mul3A_15 = arith.constant 400 : i32
      %mul3A_16 = arith.muli %scan3A_14, %mul3A_15 : i32
      %add3A_17 = arith.addi %mul3A_4, %mul3A_16 : i32
      "tpu.region"() ({
        %run_scoped3A = tpu.sem_alloc : memref<!tpu.dma_semaphore, #tpu.memory_space<semaphore_mem>>
        %dma_start3A = tpu.memref_slice %arg3[%add3A_17] : memref<320000xi32, #tpu.memory_space<hbm>> -> memref<400xi32, #tpu.memory_space<hbm>>
        %dma_start3A_18 = tpu.memref_slice %arg3[%add3A_17] : memref<320000xi32, #tpu.memory_space<hbm>> -> memref<400xi32, #tpu.memory_space<hbm>>
        tpu.enqueue_dma source(%dma_start3A_18 : memref<400xi32, #tpu.memory_space<hbm>>) target(%arg8 : memref<400xi32, #tpu.memory_space<vmem>>) target_semaphore(%run_scoped3A : memref<!tpu.dma_semaphore, #tpu.memory_space<semaphore_mem>>)
        %dma_wait3A = tpu.memref_slice %arg3[%add3A_17] : memref<320000xi32, #tpu.memory_space<hbm>> -> memref<400xi32, #tpu.memory_space<hbm>>
        %dma_wait3A_19 = tpu.memref_slice %arg3[%add3A_17] : memref<320000xi32, #tpu.memory_space<hbm>> -> memref<400xi32, #tpu.memory_space<hbm>>
        tpu.wait_dma2 semaphore(%run_scoped3A : memref<!tpu.dma_semaphore, #tpu.memory_space<semaphore_mem>>) src(%dma_wait3A_19 : memref<400xi32, #tpu.memory_space<hbm>>) dst(%arg8 : memref<400xi32, #tpu.memory_space<vmem>>)
        tpu.yield
      }) : () -> ()
      "tpu.region"() ({
        %run_scoped3A = tpu.sem_alloc : memref<!tpu.dma_semaphore, #tpu.memory_space<semaphore_mem>>
        %dma_start3A = arith.constant 0 : i32
        %dma_start3A_18 = tpu.memref_slice %arg2[%add3A_17, %dma_start3A] : memref<320000x16xf32, #tpu.memory_space<hbm>> -> memref<400x16xf32, #tpu.memory_space<hbm>>
        %dma_start3A_19 = arith.constant 0 : i32
        %dma_start3A_20 = tpu.memref_slice %arg2[%add3A_17, %dma_start3A_19] : memref<320000x16xf32, #tpu.memory_space<hbm>> -> memref<400x16xf32, #tpu.memory_space<hbm>>
        tpu.enqueue_dma source(%dma_start3A_20 : memref<400x16xf32, #tpu.memory_space<hbm>>) target(%arg9 : memref<400x16xf32, #tpu.memory_space<vmem>>) target_semaphore(%run_scoped3A : memref<!tpu.dma_semaphore, #tpu.memory_space<semaphore_mem>>)
        %dma_wait3A = arith.constant 0 : i32
        %dma_wait3A_21 = tpu.memref_slice %arg2[%add3A_17, %dma_wait3A] : memref<320000x16xf32, #tpu.memory_space<hbm>> -> memref<400x16xf32, #tpu.memory_space<hbm>>
        %dma_wait3A_22 = arith.constant 0 : i32
        %dma_wait3A_23 = tpu.memref_slice %arg2[%add3A_17, %dma_wait3A_22] : memref<320000x16xf32, #tpu.memory_space<hbm>> -> memref<400x16xf32, #tpu.memory_space<hbm>>
        tpu.wait_dma2 semaphore(%run_scoped3A : memref<!tpu.dma_semaphore, #tpu.memory_space<semaphore_mem>>) src(%dma_wait3A_23 : memref<400x16xf32, #tpu.memory_space<hbm>>) dst(%arg9 : memref<400x16xf32, #tpu.memory_space<vmem>>)
        tpu.yield
      }) : () -> ()
      "tpu.region"() ({
        %run_scoped3A = tpu.sem_alloc : memref<!tpu.dma_semaphore, #tpu.memory_space<semaphore_mem>>
        %dma_start3A = arith.constant 0 : i32
        %dma_start3A_18 = arith.constant 0 : i32
        %dma_start3A_19 = tpu.memref_slice %arg11[%dma_start3A, %dma_start3A_18] : memref<10112x16xf32, #tpu.memory_space<vmem_shared>> -> memref<10112x16xf32, #tpu.memory_space<vmem_shared>>
        tpu.enqueue_indirect_dma source(%arg9 : memref<400x16xf32, #tpu.memory_space<vmem>>) target(%dma_start3A_19 : memref<10112x16xf32, #tpu.memory_space<vmem_shared>>) offsets(%arg8 : memref<400xi32, #tpu.memory_space<vmem>>) semaphore(%run_scoped3A : memref<!tpu.dma_semaphore, #tpu.memory_space<semaphore_mem>>) {add = true}
        %dma_wait3A = arith.constant 0 : i32
        %dma_wait3A_20 = arith.constant 0 : i32
        %dma_wait3A_21 = tpu.memref_slice %arg11[%dma_wait3A, %dma_wait3A_20] : memref<10112x16xf32, #tpu.memory_space<vmem_shared>> -> memref<10112x16xf32, #tpu.memory_space<vmem_shared>>
        tpu.wait_indirect_dma semaphore(%run_scoped3A : memref<!tpu.dma_semaphore, #tpu.memory_space<semaphore_mem>>) src(%arg9 : memref<400x16xf32, #tpu.memory_space<vmem>>) dst(%dma_wait3A_21 : memref<10112x16xf32, #tpu.memory_space<vmem_shared>>)
        tpu.yield
      }) : () -> ()
      "tpu.region"() ({
        %run_scoped3A = tpu.sem_alloc : memref<!tpu.dma_semaphore, #tpu.memory_space<semaphore_mem>>
        %dma_start3A = arith.constant 0 : i32
        %dma_start3A_18 = arith.constant 0 : i32
        %dma_start3A_19 = tpu.memref_slice %arg12[%dma_start3A, %dma_start3A_18] : memref<10112x16xf32, #tpu.memory_space<vmem_shared>> -> memref<10112x16xf32, #tpu.memory_space<vmem_shared>>
        tpu.enqueue_indirect_dma source(%arg10 : memref<400x16xf32, #tpu.memory_space<vmem>>) target(%dma_start3A_19 : memref<10112x16xf32, #tpu.memory_space<vmem_shared>>) offsets(%arg8 : memref<400xi32, #tpu.memory_space<vmem>>) semaphore(%run_scoped3A : memref<!tpu.dma_semaphore, #tpu.memory_space<semaphore_mem>>) {add = true}
        %dma_wait3A = arith.constant 0 : i32
        %dma_wait3A_20 = arith.constant 0 : i32
        %dma_wait3A_21 = tpu.memref_slice %arg12[%dma_wait3A, %dma_wait3A_20] : memref<10112x16xf32, #tpu.memory_space<vmem_shared>> -> memref<10112x16xf32, #tpu.memory_space<vmem_shared>>
        tpu.wait_indirect_dma semaphore(%run_scoped3A : memref<!tpu.dma_semaphore, #tpu.memory_space<semaphore_mem>>) src(%arg10 : memref<400x16xf32, #tpu.memory_space<vmem>>) dst(%dma_wait3A_21 : memref<10112x16xf32, #tpu.memory_space<vmem_shared>>)
        tpu.yield
      }) : () -> ()
    }
    %scan3A_9 = arith.constant 25 : i32
    %barrier3A_10 = arith.constant 0 : index
    tpu.barrier barrier_id(%barrier3A_10)
    %mul3A_11 = arith.constant 10112 : i32
    %mul3A_12 = arith.muli %arg0, %mul3A_11 : i32
    %add3A_13 = arith.addi %mul3A_12, %mul3A_2 : i32
    "tpu.region"() ({
      %run_scoped3A = tpu.sem_alloc : memref<!tpu.dma_semaphore, #tpu.memory_space<semaphore_mem>>
      %dma_start3A = arith.constant 0 : i32
      %dma_start3A_14 = tpu.memref_slice %arg6[%add3A_13, %dma_start3A] : memref<20224x16xf32, #tpu.memory_space<hbm>> -> memref<632x16xf32, #tpu.memory_space<hbm>>
      %dma_start3A_15 = arith.constant 0 : i32
      %dma_start3A_16 = tpu.memref_slice %arg11[%mul3A_2, %dma_start3A_15] : memref<10112x16xf32, #tpu.memory_space<vmem_shared>> -> memref<632x16xf32, #tpu.memory_space<vmem_shared>>
      tpu.enqueue_dma source(%dma_start3A_16 : memref<632x16xf32, #tpu.memory_space<vmem_shared>>) target(%dma_start3A_14 : memref<632x16xf32, #tpu.memory_space<hbm>>) target_semaphore(%run_scoped3A : memref<!tpu.dma_semaphore, #tpu.memory_space<semaphore_mem>>)
      %dma_wait3A = arith.constant 0 : i32
      %dma_wait3A_17 = tpu.memref_slice %arg6[%add3A_13, %dma_wait3A] : memref<20224x16xf32, #tpu.memory_space<hbm>> -> memref<632x16xf32, #tpu.memory_space<hbm>>
      %dma_wait3A_18 = arith.constant 0 : i32
      %dma_wait3A_19 = tpu.memref_slice %arg11[%mul3A_2, %dma_wait3A_18] : memref<10112x16xf32, #tpu.memory_space<vmem_shared>> -> memref<632x16xf32, #tpu.memory_space<vmem_shared>>
      tpu.wait_dma2 semaphore(%run_scoped3A : memref<!tpu.dma_semaphore, #tpu.memory_space<semaphore_mem>>) src(%dma_wait3A_19 : memref<632x16xf32, #tpu.memory_space<vmem_shared>>) dst(%dma_wait3A_17 : memref<632x16xf32, #tpu.memory_space<hbm>>)
      tpu.yield
    }) : () -> ()
    "tpu.region"() ({
      %run_scoped3A = tpu.sem_alloc : memref<!tpu.dma_semaphore, #tpu.memory_space<semaphore_mem>>
      %dma_start3A = arith.constant 0 : i32
      %dma_start3A_14 = tpu.memref_slice %arg7[%add3A_13, %dma_start3A] : memref<20224x16xf32, #tpu.memory_space<hbm>> -> memref<632x16xf32, #tpu.memory_space<hbm>>
      %dma_start3A_15 = arith.constant 0 : i32
      %dma_start3A_16 = tpu.memref_slice %arg12[%mul3A_2, %dma_start3A_15] : memref<10112x16xf32, #tpu.memory_space<vmem_shared>> -> memref<632x16xf32, #tpu.memory_space<vmem_shared>>
      tpu.enqueue_dma source(%dma_start3A_16 : memref<632x16xf32, #tpu.memory_space<vmem_shared>>) target(%dma_start3A_14 : memref<632x16xf32, #tpu.memory_space<hbm>>) target_semaphore(%run_scoped3A : memref<!tpu.dma_semaphore, #tpu.memory_space<semaphore_mem>>)
      %dma_wait3A = arith.constant 0 : i32
      %dma_wait3A_17 = tpu.memref_slice %arg7[%add3A_13, %dma_wait3A] : memref<20224x16xf32, #tpu.memory_space<hbm>> -> memref<632x16xf32, #tpu.memory_space<hbm>>
      %dma_wait3A_18 = arith.constant 0 : i32
      %dma_wait3A_19 = tpu.memref_slice %arg12[%mul3A_2, %dma_wait3A_18] : memref<10112x16xf32, #tpu.memory_space<vmem_shared>> -> memref<632x16xf32, #tpu.memory_space<vmem_shared>>
      tpu.wait_dma2 semaphore(%run_scoped3A : memref<!tpu.dma_semaphore, #tpu.memory_space<semaphore_mem>>) src(%dma_wait3A_19 : memref<632x16xf32, #tpu.memory_space<vmem_shared>>) dst(%dma_wait3A_17 : memref<632x16xf32, #tpu.memory_space<hbm>>)
      tpu.yield
    }) : () -> ()
    return
  }
}

#map = affine_map<(d0, d1) -> (0, 0)>
#map1 = affine_map<(d0, d1) -> (0)>
module attributes {stable_mosaic.version = 14 : i64} {
  func.func @k(%arg0: i32, %arg1: i32, %arg2: memref<10000x128xf32, #tpu.memory_space<hbm>>, %arg3: memref<10000x128xf32, #tpu.memory_space<hbm>>, %arg4: memref<320000xi32, #tpu.memory_space<hbm>>, %arg5: memref<320000xi32, #tpu.memory_space<hbm>>, %arg6: memref<320000x128xf32, #tpu.memory_space<hbm>>, %arg7: memref<200xi32, #tpu.memory_space<vmem>>, %arg8: memref<200xi32, #tpu.memory_space<vmem>>, %arg9: memref<200xi32, #tpu.memory_space<vmem>>, %arg10: memref<200xi32, #tpu.memory_space<vmem>>, %arg11: memref<200x128xf32, #tpu.memory_space<vmem>>, %arg12: memref<200x128xf32, #tpu.memory_space<vmem>>, %arg13: memref<200x128xf32, #tpu.memory_space<vmem>>, %arg14: memref<200x128xf32, #tpu.memory_space<vmem>>, %arg15: memref<!tpu.dma_semaphore, #tpu.memory_space<semaphore_mem>>, %arg16: memref<!tpu.dma_semaphore, #tpu.memory_space<semaphore_mem>>, %arg17: memref<!tpu.dma_semaphore, #tpu.memory_space<semaphore_mem>>, %arg18: memref<!tpu.dma_semaphore, #tpu.memory_space<semaphore_mem>>) attributes {dimension_semantics = [#tpu.dimension_semantics<core_parallel>, #tpu.dimension_semantics<subcore_parallel>], iteration_bounds = array<i64: 2, 16>, scalar_prefetch = 0 : i64, scratch_operands = 12 : i64, tpu.core_type = #tpu.core_type<sc_vector_subcore>, window_params = [{transform_indices = #map}, {transform_indices = #map}, {transform_indices = #map1}, {transform_indices = #map1}, {transform_indices = #map}]} {
    %mul3A = arith.constant 2 : i32
    %mul3A_0 = arith.muli %arg1, %mul3A : i32
    %add3A = arith.addi %mul3A_0, %arg0 : i32
    %mul3A_1 = arith.constant 10000 : i32
    %mul3A_2 = arith.muli %add3A, %mul3A_1 : i32
    %add3A_3 = arith.constant 0 : i32
    %add3A_4 = arith.addi %mul3A_2, %add3A_3 : i32
    "tpu.region"() ({
      %run_scoped3A = tpu.sem_alloc : memref<!tpu.dma_semaphore, #tpu.memory_space<semaphore_mem>>
      %dma_start3A_14 = tpu.memref_slice %arg4[%add3A_4] : memref<320000xi32, #tpu.memory_space<hbm>> -> memref<200xi32, #tpu.memory_space<hbm>>
      %dma_start3A_15 = tpu.memref_slice %arg4[%add3A_4] : memref<320000xi32, #tpu.memory_space<hbm>> -> memref<200xi32, #tpu.memory_space<hbm>>
      tpu.enqueue_dma source(%dma_start3A_15 : memref<200xi32, #tpu.memory_space<hbm>>) target(%arg7 : memref<200xi32, #tpu.memory_space<vmem>>) target_semaphore(%run_scoped3A : memref<!tpu.dma_semaphore, #tpu.memory_space<semaphore_mem>>)
      %dma_wait3A = tpu.memref_slice %arg4[%add3A_4] : memref<320000xi32, #tpu.memory_space<hbm>> -> memref<200xi32, #tpu.memory_space<hbm>>
      %dma_wait3A_16 = tpu.memref_slice %arg4[%add3A_4] : memref<320000xi32, #tpu.memory_space<hbm>> -> memref<200xi32, #tpu.memory_space<hbm>>
      tpu.wait_dma2 semaphore(%run_scoped3A : memref<!tpu.dma_semaphore, #tpu.memory_space<semaphore_mem>>) src(%dma_wait3A_16 : memref<200xi32, #tpu.memory_space<hbm>>) dst(%arg7 : memref<200xi32, #tpu.memory_space<vmem>>)
      tpu.yield
    }) : () -> ()
    "tpu.region"() ({
      %run_scoped3A = tpu.sem_alloc : memref<!tpu.dma_semaphore, #tpu.memory_space<semaphore_mem>>
      %dma_start3A_14 = tpu.memref_slice %arg5[%add3A_4] : memref<320000xi32, #tpu.memory_space<hbm>> -> memref<200xi32, #tpu.memory_space<hbm>>
      %dma_start3A_15 = tpu.memref_slice %arg5[%add3A_4] : memref<320000xi32, #tpu.memory_space<hbm>> -> memref<200xi32, #tpu.memory_space<hbm>>
      tpu.enqueue_dma source(%dma_start3A_15 : memref<200xi32, #tpu.memory_space<hbm>>) target(%arg9 : memref<200xi32, #tpu.memory_space<vmem>>) target_semaphore(%run_scoped3A : memref<!tpu.dma_semaphore, #tpu.memory_space<semaphore_mem>>)
      %dma_wait3A = tpu.memref_slice %arg5[%add3A_4] : memref<320000xi32, #tpu.memory_space<hbm>> -> memref<200xi32, #tpu.memory_space<hbm>>
      %dma_wait3A_16 = tpu.memref_slice %arg5[%add3A_4] : memref<320000xi32, #tpu.memory_space<hbm>> -> memref<200xi32, #tpu.memory_space<hbm>>
      tpu.wait_dma2 semaphore(%run_scoped3A : memref<!tpu.dma_semaphore, #tpu.memory_space<semaphore_mem>>) src(%dma_wait3A_16 : memref<200xi32, #tpu.memory_space<hbm>>) dst(%arg9 : memref<200xi32, #tpu.memory_space<vmem>>)
      tpu.yield
    }) : () -> ()
    %dma_start3A = arith.constant 0 : i32
    %dma_start3A_5 = arith.constant 0 : i32
    %dma_start3A_6 = tpu.memref_slice %arg2[%dma_start3A, %dma_start3A_5] : memref<10000x128xf32, #tpu.memory_space<hbm>> -> memref<10000x128xf32, #tpu.memory_space<hbm>>
    tpu.enqueue_indirect_dma source(%dma_start3A_6 : memref<10000x128xf32, #tpu.memory_space<hbm>>) target(%arg11 : memref<200x128xf32, #tpu.memory_space<vmem>>) offsets(%arg7 : memref<200xi32, #tpu.memory_space<vmem>>) semaphore(%arg15 : memref<!tpu.dma_semaphore, #tpu.memory_space<semaphore_mem>>)
    %dma_start3A_7 = arith.constant 0 : i32
    %dma_start3A_8 = arith.constant 0 : i32
    %dma_start3A_9 = tpu.memref_slice %arg3[%dma_start3A_7, %dma_start3A_8] : memref<10000x128xf32, #tpu.memory_space<hbm>> -> memref<10000x128xf32, #tpu.memory_space<hbm>>
    tpu.enqueue_indirect_dma source(%dma_start3A_9 : memref<10000x128xf32, #tpu.memory_space<hbm>>) target(%arg13 : memref<200x128xf32, #tpu.memory_space<vmem>>) offsets(%arg9 : memref<200xi32, #tpu.memory_space<vmem>>) semaphore(%arg17 : memref<!tpu.dma_semaphore, #tpu.memory_space<semaphore_mem>>)
    %scan3A = arith.constant 0 : i32
    %scan3A_10 = arith.constant 25 : i32
    %scan3A_11 = arith.addi %scan3A, %scan3A_10 : i32
    %scan3A_12 = arith.constant 1 : i32
    scf.for %scan3A_14 = %scan3A to %scan3A_11 step %scan3A_12  : i32 {
      %mul3A_15 = arith.constant 2 : i32
      %mul3A_16 = arith.muli %scan3A_14, %mul3A_15 : i32
      %add3A_17 = arith.constant 0 : i32
      %add3A_18 = arith.addi %add3A_17, %mul3A_16 : i32
      %add3A_19 = arith.constant 0 : i32
      %add3A_20 = arith.addi %add3A_18, %add3A_19 : i32
      %lt3A = arith.constant 50 : i32
      %lt3A_21 = arith.cmpi slt, %add3A_20, %lt3A : i32
      %convert_element_type3A = arith.extui %lt3A_21 : i1 to i32
      %cond3A = arith.constant 0 : i32
      %cond3A_22 = arith.cmpi ne, %convert_element_type3A, %cond3A : i32
      scf.if %cond3A_22 {
        %add3A_30 = arith.constant 1 : i32
        %add3A_31 = arith.addi %add3A_20, %add3A_30 : i32
        %lt3A_32 = arith.constant 50 : i32
        %lt3A_33 = arith.cmpi slt, %add3A_31, %lt3A_32 : i32
        %convert_element_type3A_34 = arith.extui %lt3A_33 : i1 to i32
        %cond3A_35 = arith.constant 0 : i32
        %cond3A_36 = arith.cmpi ne, %convert_element_type3A_34, %cond3A_35 : i32
        scf.if %cond3A_36 {
          %add3A_51 = arith.constant 1 : i32
          %add3A_52 = arith.addi %add3A_20, %add3A_51 : i32
          %mul3A_53 = arith.constant 200 : i32
          %mul3A_54 = arith.muli %add3A_52, %mul3A_53 : i32
          %add3A_55 = arith.addi %mul3A_2, %mul3A_54 : i32
          "tpu.region"() ({
            %run_scoped3A = tpu.sem_alloc : memref<!tpu.dma_semaphore, #tpu.memory_space<semaphore_mem>>
            %dma_start3A_62 = tpu.memref_slice %arg4[%add3A_55] : memref<320000xi32, #tpu.memory_space<hbm>> -> memref<200xi32, #tpu.memory_space<hbm>>
            %dma_start3A_63 = tpu.memref_slice %arg4[%add3A_55] : memref<320000xi32, #tpu.memory_space<hbm>> -> memref<200xi32, #tpu.memory_space<hbm>>
            tpu.enqueue_dma source(%dma_start3A_63 : memref<200xi32, #tpu.memory_space<hbm>>) target(%arg8 : memref<200xi32, #tpu.memory_space<vmem>>) target_semaphore(%run_scoped3A : memref<!tpu.dma_semaphore, #tpu.memory_space<semaphore_mem>>)
            %dma_wait3A_64 = tpu.memref_slice %arg4[%add3A_55] : memref<320000xi32, #tpu.memory_space<hbm>> -> memref<200xi32, #tpu.memory_space<hbm>>
            %dma_wait3A_65 = tpu.memref_slice %arg4[%add3A_55] : memref<320000xi32, #tpu.memory_space<hbm>> -> memref<200xi32, #tpu.memory_space<hbm>>
            tpu.wait_dma2 semaphore(%run_scoped3A : memref<!tpu.dma_semaphore, #tpu.memory_space<semaphore_mem>>) src(%dma_wait3A_65 : memref<200xi32, #tpu.memory_space<hbm>>) dst(%arg8 : memref<200xi32, #tpu.memory_space<vmem>>)
            tpu.yield
          }) : () -> ()
          "tpu.region"() ({
            %run_scoped3A = tpu.sem_alloc : memref<!tpu.dma_semaphore, #tpu.memory_space<semaphore_mem>>
            %dma_start3A_62 = tpu.memref_slice %arg5[%add3A_55] : memref<320000xi32, #tpu.memory_space<hbm>> -> memref<200xi32, #tpu.memory_space<hbm>>
            %dma_start3A_63 = tpu.memref_slice %arg5[%add3A_55] : memref<320000xi32, #tpu.memory_space<hbm>> -> memref<200xi32, #tpu.memory_space<hbm>>
            tpu.enqueue_dma source(%dma_start3A_63 : memref<200xi32, #tpu.memory_space<hbm>>) target(%arg10 : memref<200xi32, #tpu.memory_space<vmem>>) target_semaphore(%run_scoped3A : memref<!tpu.dma_semaphore, #tpu.memory_space<semaphore_mem>>)
            %dma_wait3A_64 = tpu.memref_slice %arg5[%add3A_55] : memref<320000xi32, #tpu.memory_space<hbm>> -> memref<200xi32, #tpu.memory_space<hbm>>
            %dma_wait3A_65 = tpu.memref_slice %arg5[%add3A_55] : memref<320000xi32, #tpu.memory_space<hbm>> -> memref<200xi32, #tpu.memory_space<hbm>>
            tpu.wait_dma2 semaphore(%run_scoped3A : memref<!tpu.dma_semaphore, #tpu.memory_space<semaphore_mem>>) src(%dma_wait3A_65 : memref<200xi32, #tpu.memory_space<hbm>>) dst(%arg10 : memref<200xi32, #tpu.memory_space<vmem>>)
            tpu.yield
          }) : () -> ()
          %dma_start3A_56 = arith.constant 0 : i32
          %dma_start3A_57 = arith.constant 0 : i32
          %dma_start3A_58 = tpu.memref_slice %arg2[%dma_start3A_56, %dma_start3A_57] : memref<10000x128xf32, #tpu.memory_space<hbm>> -> memref<10000x128xf32, #tpu.memory_space<hbm>>
          tpu.enqueue_indirect_dma source(%dma_start3A_58 : memref<10000x128xf32, #tpu.memory_space<hbm>>) target(%arg12 : memref<200x128xf32, #tpu.memory_space<vmem>>) offsets(%arg8 : memref<200xi32, #tpu.memory_space<vmem>>) semaphore(%arg16 : memref<!tpu.dma_semaphore, #tpu.memory_space<semaphore_mem>>)
          %dma_start3A_59 = arith.constant 0 : i32
          %dma_start3A_60 = arith.constant 0 : i32
          %dma_start3A_61 = tpu.memref_slice %arg3[%dma_start3A_59, %dma_start3A_60] : memref<10000x128xf32, #tpu.memory_space<hbm>> -> memref<10000x128xf32, #tpu.memory_space<hbm>>
          tpu.enqueue_indirect_dma source(%dma_start3A_61 : memref<10000x128xf32, #tpu.memory_space<hbm>>) target(%arg14 : memref<200x128xf32, #tpu.memory_space<vmem>>) offsets(%arg10 : memref<200xi32, #tpu.memory_space<vmem>>) semaphore(%arg18 : memref<!tpu.dma_semaphore, #tpu.memory_space<semaphore_mem>>)
        } else {
        }
        %dma_wait3A = arith.constant 0 : i32
        %dma_wait3A_37 = arith.constant 0 : i32
        %dma_wait3A_38 = tpu.memref_slice %arg2[%dma_wait3A, %dma_wait3A_37] : memref<10000x128xf32, #tpu.memory_space<hbm>> -> memref<10000x128xf32, #tpu.memory_space<hbm>>
        tpu.wait_indirect_dma semaphore(%arg15 : memref<!tpu.dma_semaphore, #tpu.memory_space<semaphore_mem>>) src(%dma_wait3A_38 : memref<10000x128xf32, #tpu.memory_space<hbm>>) dst(%arg11 : memref<200x128xf32, #tpu.memory_space<vmem>>)
        %dma_wait3A_39 = arith.constant 0 : i32
        %dma_wait3A_40 = arith.constant 0 : i32
        %dma_wait3A_41 = tpu.memref_slice %arg3[%dma_wait3A_39, %dma_wait3A_40] : memref<10000x128xf32, #tpu.memory_space<hbm>> -> memref<10000x128xf32, #tpu.memory_space<hbm>>
        tpu.wait_indirect_dma semaphore(%arg17 : memref<!tpu.dma_semaphore, #tpu.memory_space<semaphore_mem>>) src(%dma_wait3A_41 : memref<10000x128xf32, #tpu.memory_space<hbm>>) dst(%arg13 : memref<200x128xf32, #tpu.memory_space<vmem>>)
        %scan3A_42 = arith.constant 0 : i32
        %scan3A_43 = arith.constant 0 : i32
        %scan3A_44 = arith.constant 200 : i32
        %scan3A_45 = arith.addi %scan3A_43, %scan3A_44 : i32
        %scan3A_46 = arith.constant 1 : i32
        scf.for %scan3A_51 = %scan3A_43 to %scan3A_45 step %scan3A_46  : i32 {
          %get3A = arith.index_cast %scan3A_51 : i32 to index
          %get3A_52 = arith.constant 0 : index
          %get3A_53 = tpu.vector_load %arg11[%get3A, %get3A_52] {strides = array<i32>} : memref<200x128xf32, #tpu.memory_space<vmem>>, vector<1x16xf32>,
          %get3A_54 = vector.shape_cast %get3A_53 : vector<1x16xf32> to vector<16xf32>
          %get3A_55 = arith.index_cast %scan3A_51 : i32 to index
          %get3A_56 = arith.constant 0 : index
          %get3A_57 = tpu.vector_load %arg13[%get3A_55, %get3A_56] {strides = array<i32>} : memref<200x128xf32, #tpu.memory_space<vmem>>, vector<1x16xf32>,
          %get3A_58 = vector.shape_cast %get3A_57 : vector<1x16xf32> to vector<16xf32>
          %add3A_59 = arith.addf %get3A_54, %get3A_58 : vector<16xf32>
          %swap3A = arith.index_cast %scan3A_51 : i32 to index
          %swap3A_60 = arith.constant 0 : index
          %swap3A_61 = tpu.vector_load %arg11[%swap3A, %swap3A_60] {strides = array<i32>} : memref<200x128xf32, #tpu.memory_space<vmem>>, vector<1x16xf32>,
          %swap3A_62 = vector.shape_cast %swap3A_61 : vector<1x16xf32> to vector<16xf32>
          %swap3A_63 = vector.shape_cast %add3A_59 : vector<16xf32> to vector<1x16xf32>
          tpu.vector_store %arg11[%swap3A, %swap3A_60], %swap3A_63 {strides = array<i32>} : memref<200x128xf32, #tpu.memory_space<vmem>>, vector<1x16xf32>,
          %get3A_64 = arith.index_cast %scan3A_51 : i32 to index
          %get3A_65 = arith.constant 16 : index
          %get3A_66 = tpu.vector_load %arg11[%get3A_64, %get3A_65] {strides = array<i32>} : memref<200x128xf32, #tpu.memory_space<vmem>>, vector<1x16xf32>,
          %get3A_67 = vector.shape_cast %get3A_66 : vector<1x16xf32> to vector<16xf32>
          %get3A_68 = arith.index_cast %scan3A_51 : i32 to index
          %get3A_69 = arith.constant 16 : index
          %get3A_70 = tpu.vector_load %arg13[%get3A_68, %get3A_69] {strides = array<i32>} : memref<200x128xf32, #tpu.memory_space<vmem>>, vector<1x16xf32>,
          %get3A_71 = vector.shape_cast %get3A_70 : vector<1x16xf32> to vector<16xf32>
          %add3A_72 = arith.addf %get3A_67, %get3A_71 : vector<16xf32>
          %swap3A_73 = arith.index_cast %scan3A_51 : i32 to index
          %swap3A_74 = arith.constant 16 : index
          %swap3A_75 = tpu.vector_load %arg11[%swap3A_73, %swap3A_74] {strides = array<i32>} : memref<200x128xf32, #tpu.memory_space<vmem>>, vector<1x16xf32>,
          %swap3A_76 = vector.shape_cast %swap3A_75 : vector<1x16xf32> to vector<16xf32>
          %swap3A_77 = vector.shape_cast %add3A_72 : vector<16xf32> to vector<1x16xf32>
          tpu.vector_store %arg11[%swap3A_73, %swap3A_74], %swap3A_77 {strides = array<i32>} : memref<200x128xf32, #tpu.memory_space<vmem>>, vector<1x16xf32>,
          %get3A_78 = arith.index_cast %scan3A_51 : i32 to index
          %get3A_79 = arith.constant 32 : index
          %get3A_80 = tpu.vector_load %arg11[%get3A_78, %get3A_79] {strides = array<i32>} : memref<200x128xf32, #tpu.memory_space<vmem>>, vector<1x16xf32>,
          %get3A_81 = vector.shape_cast %get3A_80 : vector<1x16xf32> to vector<16xf32>
          %get3A_82 = arith.index_cast %scan3A_51 : i32 to index
          %get3A_83 = arith.constant 32 : index
          %get3A_84 = tpu.vector_load %arg13[%get3A_82, %get3A_83] {strides = array<i32>} : memref<200x128xf32, #tpu.memory_space<vmem>>, vector<1x16xf32>,
          %get3A_85 = vector.shape_cast %get3A_84 : vector<1x16xf32> to vector<16xf32>
          %add3A_86 = arith.addf %get3A_81, %get3A_85 : vector<16xf32>
          %swap3A_87 = arith.index_cast %scan3A_51 : i32 to index
          %swap3A_88 = arith.constant 32 : index
          %swap3A_89 = tpu.vector_load %arg11[%swap3A_87, %swap3A_88] {strides = array<i32>} : memref<200x128xf32, #tpu.memory_space<vmem>>, vector<1x16xf32>,
          %swap3A_90 = vector.shape_cast %swap3A_89 : vector<1x16xf32> to vector<16xf32>
          %swap3A_91 = vector.shape_cast %add3A_86 : vector<16xf32> to vector<1x16xf32>
          tpu.vector_store %arg11[%swap3A_87, %swap3A_88], %swap3A_91 {strides = array<i32>} : memref<200x128xf32, #tpu.memory_space<vmem>>, vector<1x16xf32>,
          %get3A_92 = arith.index_cast %scan3A_51 : i32 to index
          %get3A_93 = arith.constant 48 : index
          %get3A_94 = tpu.vector_load %arg11[%get3A_92, %get3A_93] {strides = array<i32>} : memref<200x128xf32, #tpu.memory_space<vmem>>, vector<1x16xf32>,
          %get3A_95 = vector.shape_cast %get3A_94 : vector<1x16xf32> to vector<16xf32>
          %get3A_96 = arith.index_cast %scan3A_51 : i32 to index
          %get3A_97 = arith.constant 48 : index
          %get3A_98 = tpu.vector_load %arg13[%get3A_96, %get3A_97] {strides = array<i32>} : memref<200x128xf32, #tpu.memory_space<vmem>>, vector<1x16xf32>,
          %get3A_99 = vector.shape_cast %get3A_98 : vector<1x16xf32> to vector<16xf32>
          %add3A_100 = arith.addf %get3A_95, %get3A_99 : vector<16xf32>
          %swap3A_101 = arith.index_cast %scan3A_51 : i32 to index
          %swap3A_102 = arith.constant 48 : index
          %swap3A_103 = tpu.vector_load %arg11[%swap3A_101, %swap3A_102] {strides = array<i32>} : memref<200x128xf32, #tpu.memory_space<vmem>>, vector<1x16xf32>,
          %swap3A_104 = vector.shape_cast %swap3A_103 : vector<1x16xf32> to vector<16xf32>
          %swap3A_105 = vector.shape_cast %add3A_100 : vector<16xf32> to vector<1x16xf32>
          tpu.vector_store %arg11[%swap3A_101, %swap3A_102], %swap3A_105 {strides = array<i32>} : memref<200x128xf32, #tpu.memory_space<vmem>>, vector<1x16xf32>,
          %get3A_106 = arith.index_cast %scan3A_51 : i32 to index
          %get3A_107 = arith.constant 64 : index
          %get3A_108 = tpu.vector_load %arg11[%get3A_106, %get3A_107] {strides = array<i32>} : memref<200x128xf32, #tpu.memory_space<vmem>>, vector<1x16xf32>,
          %get3A_109 = vector.shape_cast %get3A_108 : vector<1x16xf32> to vector<16xf32>
          %get3A_110 = arith.index_cast %scan3A_51 : i32 to index
          %get3A_111 = arith.constant 64 : index
          %get3A_112 = tpu.vector_load %arg13[%get3A_110, %get3A_111] {strides = array<i32>} : memref<200x128xf32, #tpu.memory_space<vmem>>, vector<1x16xf32>,
          %get3A_113 = vector.shape_cast %get3A_112 : vector<1x16xf32> to vector<16xf32>
          %add3A_114 = arith.addf %get3A_109, %get3A_113 : vector<16xf32>
          %swap3A_115 = arith.index_cast %scan3A_51 : i32 to index
          %swap3A_116 = arith.constant 64 : index
          %swap3A_117 = tpu.vector_load %arg11[%swap3A_115, %swap3A_116] {strides = array<i32>} : memref<200x128xf32, #tpu.memory_space<vmem>>, vector<1x16xf32>,
          %swap3A_118 = vector.shape_cast %swap3A_117 : vector<1x16xf32> to vector<16xf32>
          %swap3A_119 = vector.shape_cast %add3A_114 : vector<16xf32> to vector<1x16xf32>
          tpu.vector_store %arg11[%swap3A_115, %swap3A_116], %swap3A_119 {strides = array<i32>} : memref<200x128xf32, #tpu.memory_space<vmem>>, vector<1x16xf32>,
          %get3A_120 = arith.index_cast %scan3A_51 : i32 to index
          %get3A_121 = arith.constant 80 : index
          %get3A_122 = tpu.vector_load %arg11[%get3A_120, %get3A_121] {strides = array<i32>} : memref<200x128xf32, #tpu.memory_space<vmem>>, vector<1x16xf32>,
          %get3A_123 = vector.shape_cast %get3A_122 : vector<1x16xf32> to vector<16xf32>
          %get3A_124 = arith.index_cast %scan3A_51 : i32 to index
          %get3A_125 = arith.constant 80 : index
          %get3A_126 = tpu.vector_load %arg13[%get3A_124, %get3A_125] {strides = array<i32>} : memref<200x128xf32, #tpu.memory_space<vmem>>, vector<1x16xf32>,
          %get3A_127 = vector.shape_cast %get3A_126 : vector<1x16xf32> to vector<16xf32>
          %add3A_128 = arith.addf %get3A_123, %get3A_127 : vector<16xf32>
          %swap3A_129 = arith.index_cast %scan3A_51 : i32 to index
          %swap3A_130 = arith.constant 80 : index
          %swap3A_131 = tpu.vector_load %arg11[%swap3A_129, %swap3A_130] {strides = array<i32>} : memref<200x128xf32, #tpu.memory_space<vmem>>, vector<1x16xf32>,
          %swap3A_132 = vector.shape_cast %swap3A_131 : vector<1x16xf32> to vector<16xf32>
          %swap3A_133 = vector.shape_cast %add3A_128 : vector<16xf32> to vector<1x16xf32>
          tpu.vector_store %arg11[%swap3A_129, %swap3A_130], %swap3A_133 {strides = array<i32>} : memref<200x128xf32, #tpu.memory_space<vmem>>, vector<1x16xf32>,
          %get3A_134 = arith.index_cast %scan3A_51 : i32 to index
          %get3A_135 = arith.constant 96 : index
          %get3A_136 = tpu.vector_load %arg11[%get3A_134, %get3A_135] {strides = array<i32>} : memref<200x128xf32, #tpu.memory_space<vmem>>, vector<1x16xf32>,
          %get3A_137 = vector.shape_cast %get3A_136 : vector<1x16xf32> to vector<16xf32>
          %get3A_138 = arith.index_cast %scan3A_51 : i32 to index
          %get3A_139 = arith.constant 96 : index
          %get3A_140 = tpu.vector_load %arg13[%get3A_138, %get3A_139] {strides = array<i32>} : memref<200x128xf32, #tpu.memory_space<vmem>>, vector<1x16xf32>,
          %get3A_141 = vector.shape_cast %get3A_140 : vector<1x16xf32> to vector<16xf32>
          %add3A_142 = arith.addf %get3A_137, %get3A_141 : vector<16xf32>
          %swap3A_143 = arith.index_cast %scan3A_51 : i32 to index
          %swap3A_144 = arith.constant 96 : index
          %swap3A_145 = tpu.vector_load %arg11[%swap3A_143, %swap3A_144] {strides = array<i32>} : memref<200x128xf32, #tpu.memory_space<vmem>>, vector<1x16xf32>,
          %swap3A_146 = vector.shape_cast %swap3A_145 : vector<1x16xf32> to vector<16xf32>
          %swap3A_147 = vector.shape_cast %add3A_142 : vector<16xf32> to vector<1x16xf32>
          tpu.vector_store %arg11[%swap3A_143, %swap3A_144], %swap3A_147 {strides = array<i32>} : memref<200x128xf32, #tpu.memory_space<vmem>>, vector<1x16xf32>,
          %get3A_148 = arith.index_cast %scan3A_51 : i32 to index
          %get3A_149 = arith.constant 112 : index
          %get3A_150 = tpu.vector_load %arg11[%get3A_148, %get3A_149] {strides = array<i32>} : memref<200x128xf32, #tpu.memory_space<vmem>>, vector<1x16xf32>,
          %get3A_151 = vector.shape_cast %get3A_150 : vector<1x16xf32> to vector<16xf32>
          %get3A_152 = arith.index_cast %scan3A_51 : i32 to index
          %get3A_153 = arith.constant 112 : index
          %get3A_154 = tpu.vector_load %arg13[%get3A_152, %get3A_153] {strides = array<i32>} : memref<200x128xf32, #tpu.memory_space<vmem>>, vector<1x16xf32>,
          %get3A_155 = vector.shape_cast %get3A_154 : vector<1x16xf32> to vector<16xf32>
          %add3A_156 = arith.addf %get3A_151, %get3A_155 : vector<16xf32>
          %swap3A_157 = arith.index_cast %scan3A_51 : i32 to index
          %swap3A_158 = arith.constant 112 : index
          %swap3A_159 = tpu.vector_load %arg11[%swap3A_157, %swap3A_158] {strides = array<i32>} : memref<200x128xf32, #tpu.memory_space<vmem>>, vector<1x16xf32>,
          %swap3A_160 = vector.shape_cast %swap3A_159 : vector<1x16xf32> to vector<16xf32>
          %swap3A_161 = vector.shape_cast %add3A_156 : vector<16xf32> to vector<1x16xf32>
          tpu.vector_store %arg11[%swap3A_157, %swap3A_158], %swap3A_161 {strides = array<i32>} : memref<200x128xf32, #tpu.memory_space<vmem>>, vector<1x16xf32>,
        }
        %scan3A_47 = arith.constant 200 : i32
        %mul3A_48 = arith.constant 200 : i32
        %mul3A_49 = arith.muli %add3A_20, %mul3A_48 : i32
        %add3A_50 = arith.addi %mul3A_2, %mul3A_49 : i32
        "tpu.region"() ({
          %run_scoped3A = tpu.sem_alloc : memref<!tpu.dma_semaphore, #tpu.memory_space<semaphore_mem>>
          %dma_start3A_51 = arith.constant 0 : i32
          %dma_start3A_52 = tpu.memref_slice %arg6[%add3A_50, %dma_start3A_51] : memref<320000x128xf32, #tpu.memory_space<hbm>> -> memref<200x128xf32, #tpu.memory_space<hbm>>
          %dma_start3A_53 = arith.constant 0 : i32
          %dma_start3A_54 = tpu.memref_slice %arg6[%add3A_50, %dma_start3A_53] : memref<320000x128xf32, #tpu.memory_space<hbm>> -> memref<200x128xf32, #tpu.memory_space<hbm>>
          tpu.enqueue_dma source(%arg11 : memref<200x128xf32, #tpu.memory_space<vmem>>) target(%dma_start3A_54 : memref<200x128xf32, #tpu.memory_space<hbm>>) target_semaphore(%run_scoped3A : memref<!tpu.dma_semaphore, #tpu.memory_space<semaphore_mem>>)
          %dma_wait3A_55 = arith.constant 0 : i32
          %dma_wait3A_56 = tpu.memref_slice %arg6[%add3A_50, %dma_wait3A_55] : memref<320000x128xf32, #tpu.memory_space<hbm>> -> memref<200x128xf32, #tpu.memory_space<hbm>>
          %dma_wait3A_57 = arith.constant 0 : i32
          %dma_wait3A_58 = tpu.memref_slice %arg6[%add3A_50, %dma_wait3A_57] : memref<320000x128xf32, #tpu.memory_space<hbm>> -> memref<200x128xf32, #tpu.memory_space<hbm>>
          tpu.wait_dma2 semaphore(%run_scoped3A : memref<!tpu.dma_semaphore, #tpu.memory_space<semaphore_mem>>) src(%arg11 : memref<200x128xf32, #tpu.memory_space<vmem>>) dst(%dma_wait3A_58 : memref<200x128xf32, #tpu.memory_space<hbm>>)
          tpu.yield
        }) : () -> ()
      } else {
      }
      %add3A_23 = arith.constant 1 : i32
      %add3A_24 = arith.addi %add3A_18, %add3A_23 : i32
      %lt3A_25 = arith.constant 50 : i32
      %lt3A_26 = arith.cmpi slt, %add3A_24, %lt3A_25 : i32
      %convert_element_type3A_27 = arith.extui %lt3A_26 : i1 to i32
      %cond3A_28 = arith.constant 0 : i32
      %cond3A_29 = arith.cmpi ne, %convert_element_type3A_27, %cond3A_28 : i32
      scf.if %cond3A_29 {
        %add3A_30 = arith.constant 1 : i32
        %add3A_31 = arith.addi %add3A_24, %add3A_30 : i32
        %lt3A_32 = arith.constant 50 : i32
        %lt3A_33 = arith.cmpi slt, %add3A_31, %lt3A_32 : i32
        %convert_element_type3A_34 = arith.extui %lt3A_33 : i1 to i32
        %cond3A_35 = arith.constant 0 : i32
        %cond3A_36 = arith.cmpi ne, %convert_element_type3A_34, %cond3A_35 : i32
        scf.if %cond3A_36 {
          %add3A_51 = arith.constant 1 : i32
          %add3A_52 = arith.addi %add3A_24, %add3A_51 : i32
          %mul3A_53 = arith.constant 200 : i32
          %mul3A_54 = arith.muli %add3A_52, %mul3A_53 : i32
          %add3A_55 = arith.addi %mul3A_2, %mul3A_54 : i32
          "tpu.region"() ({
            %run_scoped3A = tpu.sem_alloc : memref<!tpu.dma_semaphore, #tpu.memory_space<semaphore_mem>>
            %dma_start3A_62 = tpu.memref_slice %arg4[%add3A_55] : memref<320000xi32, #tpu.memory_space<hbm>> -> memref<200xi32, #tpu.memory_space<hbm>>
            %dma_start3A_63 = tpu.memref_slice %arg4[%add3A_55] : memref<320000xi32, #tpu.memory_space<hbm>> -> memref<200xi32, #tpu.memory_space<hbm>>
            tpu.enqueue_dma source(%dma_start3A_63 : memref<200xi32, #tpu.memory_space<hbm>>) target(%arg7 : memref<200xi32, #tpu.memory_space<vmem>>) target_semaphore(%run_scoped3A : memref<!tpu.dma_semaphore, #tpu.memory_space<semaphore_mem>>)
            %dma_wait3A_64 = tpu.memref_slice %arg4[%add3A_55] : memref<320000xi32, #tpu.memory_space<hbm>> -> memref<200xi32, #tpu.memory_space<hbm>>
            %dma_wait3A_65 = tpu.memref_slice %arg4[%add3A_55] : memref<320000xi32, #tpu.memory_space<hbm>> -> memref<200xi32, #tpu.memory_space<hbm>>
            tpu.wait_dma2 semaphore(%run_scoped3A : memref<!tpu.dma_semaphore, #tpu.memory_space<semaphore_mem>>) src(%dma_wait3A_65 : memref<200xi32, #tpu.memory_space<hbm>>) dst(%arg7 : memref<200xi32, #tpu.memory_space<vmem>>)
            tpu.yield
          }) : () -> ()
          "tpu.region"() ({
            %run_scoped3A = tpu.sem_alloc : memref<!tpu.dma_semaphore, #tpu.memory_space<semaphore_mem>>
            %dma_start3A_62 = tpu.memref_slice %arg5[%add3A_55] : memref<320000xi32, #tpu.memory_space<hbm>> -> memref<200xi32, #tpu.memory_space<hbm>>
            %dma_start3A_63 = tpu.memref_slice %arg5[%add3A_55] : memref<320000xi32, #tpu.memory_space<hbm>> -> memref<200xi32, #tpu.memory_space<hbm>>
            tpu.enqueue_dma source(%dma_start3A_63 : memref<200xi32, #tpu.memory_space<hbm>>) target(%arg9 : memref<200xi32, #tpu.memory_space<vmem>>) target_semaphore(%run_scoped3A : memref<!tpu.dma_semaphore, #tpu.memory_space<semaphore_mem>>)
            %dma_wait3A_64 = tpu.memref_slice %arg5[%add3A_55] : memref<320000xi32, #tpu.memory_space<hbm>> -> memref<200xi32, #tpu.memory_space<hbm>>
            %dma_wait3A_65 = tpu.memref_slice %arg5[%add3A_55] : memref<320000xi32, #tpu.memory_space<hbm>> -> memref<200xi32, #tpu.memory_space<hbm>>
            tpu.wait_dma2 semaphore(%run_scoped3A : memref<!tpu.dma_semaphore, #tpu.memory_space<semaphore_mem>>) src(%dma_wait3A_65 : memref<200xi32, #tpu.memory_space<hbm>>) dst(%arg9 : memref<200xi32, #tpu.memory_space<vmem>>)
            tpu.yield
          }) : () -> ()
          %dma_start3A_56 = arith.constant 0 : i32
          %dma_start3A_57 = arith.constant 0 : i32
          %dma_start3A_58 = tpu.memref_slice %arg2[%dma_start3A_56, %dma_start3A_57] : memref<10000x128xf32, #tpu.memory_space<hbm>> -> memref<10000x128xf32, #tpu.memory_space<hbm>>
          tpu.enqueue_indirect_dma source(%dma_start3A_58 : memref<10000x128xf32, #tpu.memory_space<hbm>>) target(%arg11 : memref<200x128xf32, #tpu.memory_space<vmem>>) offsets(%arg7 : memref<200xi32, #tpu.memory_space<vmem>>) semaphore(%arg15 : memref<!tpu.dma_semaphore, #tpu.memory_space<semaphore_mem>>)
          %dma_start3A_59 = arith.constant 0 : i32
          %dma_start3A_60 = arith.constant 0 : i32
          %dma_start3A_61 = tpu.memref_slice %arg3[%dma_start3A_59, %dma_start3A_60] : memref<10000x128xf32, #tpu.memory_space<hbm>> -> memref<10000x128xf32, #tpu.memory_space<hbm>>
          tpu.enqueue_indirect_dma source(%dma_start3A_61 : memref<10000x128xf32, #tpu.memory_space<hbm>>) target(%arg13 : memref<200x128xf32, #tpu.memory_space<vmem>>) offsets(%arg9 : memref<200xi32, #tpu.memory_space<vmem>>) semaphore(%arg17 : memref<!tpu.dma_semaphore, #tpu.memory_space<semaphore_mem>>)
        } else {
        }
        %dma_wait3A = arith.constant 0 : i32
        %dma_wait3A_37 = arith.constant 0 : i32
        %dma_wait3A_38 = tpu.memref_slice %arg2[%dma_wait3A, %dma_wait3A_37] : memref<10000x128xf32, #tpu.memory_space<hbm>> -> memref<10000x128xf32, #tpu.memory_space<hbm>>
        tpu.wait_indirect_dma semaphore(%arg16 : memref<!tpu.dma_semaphore, #tpu.memory_space<semaphore_mem>>) src(%dma_wait3A_38 : memref<10000x128xf32, #tpu.memory_space<hbm>>) dst(%arg12 : memref<200x128xf32, #tpu.memory_space<vmem>>)
        %dma_wait3A_39 = arith.constant 0 : i32
        %dma_wait3A_40 = arith.constant 0 : i32
        %dma_wait3A_41 = tpu.memref_slice %arg3[%dma_wait3A_39, %dma_wait3A_40] : memref<10000x128xf32, #tpu.memory_space<hbm>> -> memref<10000x128xf32, #tpu.memory_space<hbm>>
        tpu.wait_indirect_dma semaphore(%arg18 : memref<!tpu.dma_semaphore, #tpu.memory_space<semaphore_mem>>) src(%dma_wait3A_41 : memref<10000x128xf32, #tpu.memory_space<hbm>>) dst(%arg14 : memref<200x128xf32, #tpu.memory_space<vmem>>)
        %scan3A_42 = arith.constant 0 : i32
        %scan3A_43 = arith.constant 0 : i32
        %scan3A_44 = arith.constant 200 : i32
        %scan3A_45 = arith.addi %scan3A_43, %scan3A_44 : i32
        %scan3A_46 = arith.constant 1 : i32
        scf.for %scan3A_51 = %scan3A_43 to %scan3A_45 step %scan3A_46  : i32 {
          %get3A = arith.index_cast %scan3A_51 : i32 to index
          %get3A_52 = arith.constant 0 : index
          %get3A_53 = tpu.vector_load %arg12[%get3A, %get3A_52] {strides = array<i32>} : memref<200x128xf32, #tpu.memory_space<vmem>>, vector<1x16xf32>,
          %get3A_54 = vector.shape_cast %get3A_53 : vector<1x16xf32> to vector<16xf32>
          %get3A_55 = arith.index_cast %scan3A_51 : i32 to index
          %get3A_56 = arith.constant 0 : index
          %get3A_57 = tpu.vector_load %arg14[%get3A_55, %get3A_56] {strides = array<i32>} : memref<200x128xf32, #tpu.memory_space<vmem>>, vector<1x16xf32>,
          %get3A_58 = vector.shape_cast %get3A_57 : vector<1x16xf32> to vector<16xf32>
          %add3A_59 = arith.addf %get3A_54, %get3A_58 : vector<16xf32>
          %swap3A = arith.index_cast %scan3A_51 : i32 to index
          %swap3A_60 = arith.constant 0 : index
          %swap3A_61 = tpu.vector_load %arg12[%swap3A, %swap3A_60] {strides = array<i32>} : memref<200x128xf32, #tpu.memory_space<vmem>>, vector<1x16xf32>,
          %swap3A_62 = vector.shape_cast %swap3A_61 : vector<1x16xf32> to vector<16xf32>
          %swap3A_63 = vector.shape_cast %add3A_59 : vector<16xf32> to vector<1x16xf32>
          tpu.vector_store %arg12[%swap3A, %swap3A_60], %swap3A_63 {strides = array<i32>} : memref<200x128xf32, #tpu.memory_space<vmem>>, vector<1x16xf32>,
          %get3A_64 = arith.index_cast %scan3A_51 : i32 to index
          %get3A_65 = arith.constant 16 : index
          %get3A_66 = tpu.vector_load %arg12[%get3A_64, %get3A_65] {strides = array<i32>} : memref<200x128xf32, #tpu.memory_space<vmem>>, vector<1x16xf32>,
          %get3A_67 = vector.shape_cast %get3A_66 : vector<1x16xf32> to vector<16xf32>
          %get3A_68 = arith.index_cast %scan3A_51 : i32 to index
          %get3A_69 = arith.constant 16 : index
          %get3A_70 = tpu.vector_load %arg14[%get3A_68, %get3A_69] {strides = array<i32>} : memref<200x128xf32, #tpu.memory_space<vmem>>, vector<1x16xf32>,
          %get3A_71 = vector.shape_cast %get3A_70 : vector<1x16xf32> to vector<16xf32>
          %add3A_72 = arith.addf %get3A_67, %get3A_71 : vector<16xf32>
          %swap3A_73 = arith.index_cast %scan3A_51 : i32 to index
          %swap3A_74 = arith.constant 16 : index
          %swap3A_75 = tpu.vector_load %arg12[%swap3A_73, %swap3A_74] {strides = array<i32>} : memref<200x128xf32, #tpu.memory_space<vmem>>, vector<1x16xf32>,
          %swap3A_76 = vector.shape_cast %swap3A_75 : vector<1x16xf32> to vector<16xf32>
          %swap3A_77 = vector.shape_cast %add3A_72 : vector<16xf32> to vector<1x16xf32>
          tpu.vector_store %arg12[%swap3A_73, %swap3A_74], %swap3A_77 {strides = array<i32>} : memref<200x128xf32, #tpu.memory_space<vmem>>, vector<1x16xf32>,
          %get3A_78 = arith.index_cast %scan3A_51 : i32 to index
          %get3A_79 = arith.constant 32 : index
          %get3A_80 = tpu.vector_load %arg12[%get3A_78, %get3A_79] {strides = array<i32>} : memref<200x128xf32, #tpu.memory_space<vmem>>, vector<1x16xf32>,
          %get3A_81 = vector.shape_cast %get3A_80 : vector<1x16xf32> to vector<16xf32>
          %get3A_82 = arith.index_cast %scan3A_51 : i32 to index
          %get3A_83 = arith.constant 32 : index
          %get3A_84 = tpu.vector_load %arg14[%get3A_82, %get3A_83] {strides = array<i32>} : memref<200x128xf32, #tpu.memory_space<vmem>>, vector<1x16xf32>,
          %get3A_85 = vector.shape_cast %get3A_84 : vector<1x16xf32> to vector<16xf32>
          %add3A_86 = arith.addf %get3A_81, %get3A_85 : vector<16xf32>
          %swap3A_87 = arith.index_cast %scan3A_51 : i32 to index
          %swap3A_88 = arith.constant 32 : index
          %swap3A_89 = tpu.vector_load %arg12[%swap3A_87, %swap3A_88] {strides = array<i32>} : memref<200x128xf32, #tpu.memory_space<vmem>>, vector<1x16xf32>,
          %swap3A_90 = vector.shape_cast %swap3A_89 : vector<1x16xf32> to vector<16xf32>
          %swap3A_91 = vector.shape_cast %add3A_86 : vector<16xf32> to vector<1x16xf32>
          tpu.vector_store %arg12[%swap3A_87, %swap3A_88], %swap3A_91 {strides = array<i32>} : memref<200x128xf32, #tpu.memory_space<vmem>>, vector<1x16xf32>,
          %get3A_92 = arith.index_cast %scan3A_51 : i32 to index
          %get3A_93 = arith.constant 48 : index
          %get3A_94 = tpu.vector_load %arg12[%get3A_92, %get3A_93] {strides = array<i32>} : memref<200x128xf32, #tpu.memory_space<vmem>>, vector<1x16xf32>,
          %get3A_95 = vector.shape_cast %get3A_94 : vector<1x16xf32> to vector<16xf32>
          %get3A_96 = arith.index_cast %scan3A_51 : i32 to index
          %get3A_97 = arith.constant 48 : index
          %get3A_98 = tpu.vector_load %arg14[%get3A_96, %get3A_97] {strides = array<i32>} : memref<200x128xf32, #tpu.memory_space<vmem>>, vector<1x16xf32>,
          %get3A_99 = vector.shape_cast %get3A_98 : vector<1x16xf32> to vector<16xf32>
          %add3A_100 = arith.addf %get3A_95, %get3A_99 : vector<16xf32>
          %swap3A_101 = arith.index_cast %scan3A_51 : i32 to index
          %swap3A_102 = arith.constant 48 : index
          %swap3A_103 = tpu.vector_load %arg12[%swap3A_101, %swap3A_102] {strides = array<i32>} : memref<200x128xf32, #tpu.memory_space<vmem>>, vector<1x16xf32>,
          %swap3A_104 = vector.shape_cast %swap3A_103 : vector<1x16xf32> to vector<16xf32>
          %swap3A_105 = vector.shape_cast %add3A_100 : vector<16xf32> to vector<1x16xf32>
          tpu.vector_store %arg12[%swap3A_101, %swap3A_102], %swap3A_105 {strides = array<i32>} : memref<200x128xf32, #tpu.memory_space<vmem>>, vector<1x16xf32>,
          %get3A_106 = arith.index_cast %scan3A_51 : i32 to index
          %get3A_107 = arith.constant 64 : index
          %get3A_108 = tpu.vector_load %arg12[%get3A_106, %get3A_107] {strides = array<i32>} : memref<200x128xf32, #tpu.memory_space<vmem>>, vector<1x16xf32>,
          %get3A_109 = vector.shape_cast %get3A_108 : vector<1x16xf32> to vector<16xf32>
          %get3A_110 = arith.index_cast %scan3A_51 : i32 to index
          %get3A_111 = arith.constant 64 : index
          %get3A_112 = tpu.vector_load %arg14[%get3A_110, %get3A_111] {strides = array<i32>} : memref<200x128xf32, #tpu.memory_space<vmem>>, vector<1x16xf32>,
          %get3A_113 = vector.shape_cast %get3A_112 : vector<1x16xf32> to vector<16xf32>
          %add3A_114 = arith.addf %get3A_109, %get3A_113 : vector<16xf32>
          %swap3A_115 = arith.index_cast %scan3A_51 : i32 to index
          %swap3A_116 = arith.constant 64 : index
          %swap3A_117 = tpu.vector_load %arg12[%swap3A_115, %swap3A_116] {strides = array<i32>} : memref<200x128xf32, #tpu.memory_space<vmem>>, vector<1x16xf32>,
          %swap3A_118 = vector.shape_cast %swap3A_117 : vector<1x16xf32> to vector<16xf32>
          %swap3A_119 = vector.shape_cast %add3A_114 : vector<16xf32> to vector<1x16xf32>
          tpu.vector_store %arg12[%swap3A_115, %swap3A_116], %swap3A_119 {strides = array<i32>} : memref<200x128xf32, #tpu.memory_space<vmem>>, vector<1x16xf32>,
          %get3A_120 = arith.index_cast %scan3A_51 : i32 to index
          %get3A_121 = arith.constant 80 : index
          %get3A_122 = tpu.vector_load %arg12[%get3A_120, %get3A_121] {strides = array<i32>} : memref<200x128xf32, #tpu.memory_space<vmem>>, vector<1x16xf32>,
          %get3A_123 = vector.shape_cast %get3A_122 : vector<1x16xf32> to vector<16xf32>
          %get3A_124 = arith.index_cast %scan3A_51 : i32 to index
          %get3A_125 = arith.constant 80 : index
          %get3A_126 = tpu.vector_load %arg14[%get3A_124, %get3A_125] {strides = array<i32>} : memref<200x128xf32, #tpu.memory_space<vmem>>, vector<1x16xf32>,
          %get3A_127 = vector.shape_cast %get3A_126 : vector<1x16xf32> to vector<16xf32>
          %add3A_128 = arith.addf %get3A_123, %get3A_127 : vector<16xf32>
          %swap3A_129 = arith.index_cast %scan3A_51 : i32 to index
          %swap3A_130 = arith.constant 80 : index
          %swap3A_131 = tpu.vector_load %arg12[%swap3A_129, %swap3A_130] {strides = array<i32>} : memref<200x128xf32, #tpu.memory_space<vmem>>, vector<1x16xf32>,
          %swap3A_132 = vector.shape_cast %swap3A_131 : vector<1x16xf32> to vector<16xf32>
          %swap3A_133 = vector.shape_cast %add3A_128 : vector<16xf32> to vector<1x16xf32>
          tpu.vector_store %arg12[%swap3A_129, %swap3A_130], %swap3A_133 {strides = array<i32>} : memref<200x128xf32, #tpu.memory_space<vmem>>, vector<1x16xf32>,
          %get3A_134 = arith.index_cast %scan3A_51 : i32 to index
          %get3A_135 = arith.constant 96 : index
          %get3A_136 = tpu.vector_load %arg12[%get3A_134, %get3A_135] {strides = array<i32>} : memref<200x128xf32, #tpu.memory_space<vmem>>, vector<1x16xf32>,
          %get3A_137 = vector.shape_cast %get3A_136 : vector<1x16xf32> to vector<16xf32>
          %get3A_138 = arith.index_cast %scan3A_51 : i32 to index
          %get3A_139 = arith.constant 96 : index
          %get3A_140 = tpu.vector_load %arg14[%get3A_138, %get3A_139] {strides = array<i32>} : memref<200x128xf32, #tpu.memory_space<vmem>>, vector<1x16xf32>,
          %get3A_141 = vector.shape_cast %get3A_140 : vector<1x16xf32> to vector<16xf32>
          %add3A_142 = arith.addf %get3A_137, %get3A_141 : vector<16xf32>
          %swap3A_143 = arith.index_cast %scan3A_51 : i32 to index
          %swap3A_144 = arith.constant 96 : index
          %swap3A_145 = tpu.vector_load %arg12[%swap3A_143, %swap3A_144] {strides = array<i32>} : memref<200x128xf32, #tpu.memory_space<vmem>>, vector<1x16xf32>,
          %swap3A_146 = vector.shape_cast %swap3A_145 : vector<1x16xf32> to vector<16xf32>
          %swap3A_147 = vector.shape_cast %add3A_142 : vector<16xf32> to vector<1x16xf32>
          tpu.vector_store %arg12[%swap3A_143, %swap3A_144], %swap3A_147 {strides = array<i32>} : memref<200x128xf32, #tpu.memory_space<vmem>>, vector<1x16xf32>,
          %get3A_148 = arith.index_cast %scan3A_51 : i32 to index
          %get3A_149 = arith.constant 112 : index
          %get3A_150 = tpu.vector_load %arg12[%get3A_148, %get3A_149] {strides = array<i32>} : memref<200x128xf32, #tpu.memory_space<vmem>>, vector<1x16xf32>,
          %get3A_151 = vector.shape_cast %get3A_150 : vector<1x16xf32> to vector<16xf32>
          %get3A_152 = arith.index_cast %scan3A_51 : i32 to index
          %get3A_153 = arith.constant 112 : index
          %get3A_154 = tpu.vector_load %arg14[%get3A_152, %get3A_153] {strides = array<i32>} : memref<200x128xf32, #tpu.memory_space<vmem>>, vector<1x16xf32>,
          %get3A_155 = vector.shape_cast %get3A_154 : vector<1x16xf32> to vector<16xf32>
          %add3A_156 = arith.addf %get3A_151, %get3A_155 : vector<16xf32>
          %swap3A_157 = arith.index_cast %scan3A_51 : i32 to index
          %swap3A_158 = arith.constant 112 : index
          %swap3A_159 = tpu.vector_load %arg12[%swap3A_157, %swap3A_158] {strides = array<i32>} : memref<200x128xf32, #tpu.memory_space<vmem>>, vector<1x16xf32>,
          %swap3A_160 = vector.shape_cast %swap3A_159 : vector<1x16xf32> to vector<16xf32>
          %swap3A_161 = vector.shape_cast %add3A_156 : vector<16xf32> to vector<1x16xf32>
          tpu.vector_store %arg12[%swap3A_157, %swap3A_158], %swap3A_161 {strides = array<i32>} : memref<200x128xf32, #tpu.memory_space<vmem>>, vector<1x16xf32>,
        }
        %scan3A_47 = arith.constant 200 : i32
        %mul3A_48 = arith.constant 200 : i32
        %mul3A_49 = arith.muli %add3A_24, %mul3A_48 : i32
        %add3A_50 = arith.addi %mul3A_2, %mul3A_49 : i32
        "tpu.region"() ({
          %run_scoped3A = tpu.sem_alloc : memref<!tpu.dma_semaphore, #tpu.memory_space<semaphore_mem>>
          %dma_start3A_51 = arith.constant 0 : i32
          %dma_start3A_52 = tpu.memref_slice %arg6[%add3A_50, %dma_start3A_51] : memref<320000x128xf32, #tpu.memory_space<hbm>> -> memref<200x128xf32, #tpu.memory_space<hbm>>
          %dma_start3A_53 = arith.constant 0 : i32
          %dma_start3A_54 = tpu.memref_slice %arg6[%add3A_50, %dma_start3A_53] : memref<320000x128xf32, #tpu.memory_space<hbm>> -> memref<200x128xf32, #tpu.memory_space<hbm>>
          tpu.enqueue_dma source(%arg12 : memref<200x128xf32, #tpu.memory_space<vmem>>) target(%dma_start3A_54 : memref<200x128xf32, #tpu.memory_space<hbm>>) target_semaphore(%run_scoped3A : memref<!tpu.dma_semaphore, #tpu.memory_space<semaphore_mem>>)
          %dma_wait3A_55 = arith.constant 0 : i32
          %dma_wait3A_56 = tpu.memref_slice %arg6[%add3A_50, %dma_wait3A_55] : memref<320000x128xf32, #tpu.memory_space<hbm>> -> memref<200x128xf32, #tpu.memory_space<hbm>>
          %dma_wait3A_57 = arith.constant 0 : i32
          %dma_wait3A_58 = tpu.memref_slice %arg6[%add3A_50, %dma_wait3A_57] : memref<320000x128xf32, #tpu.memory_space<hbm>> -> memref<200x128xf32, #tpu.memory_space<hbm>>
          tpu.wait_dma2 semaphore(%run_scoped3A : memref<!tpu.dma_semaphore, #tpu.memory_space<semaphore_mem>>) src(%arg12 : memref<200x128xf32, #tpu.memory_space<vmem>>) dst(%dma_wait3A_58 : memref<200x128xf32, #tpu.memory_space<hbm>>)
          tpu.yield
        }) : () -> ()
      } else {
      }
    }
    %scan3A_13 = arith.constant 25 : i32
    return
  }
}

module attributes {stable_mosaic.version = 14 : i64} {
  func.func @_proj_body(%arg0: i32, %arg1: memref<2000x128xf32, #tpu.memory_space<vmem>>, %arg2: memref<128x384xf32, #tpu.memory_space<vmem>>, %arg3: memref<2000x128xf32, #tpu.memory_space<vmem>>, %arg4: memref<2000x128xf32, #tpu.memory_space<vmem>>, %arg5: memref<2000x128xf32, #tpu.memory_space<vmem>>) attributes {dimension_semantics = [#tpu.dimension_semantics<arbitrary>], iteration_bounds = array<i64: 5>, scalar_prefetch = 0 : i64, scratch_operands = 0 : i64, tpu.core_type = #tpu.core_type<tc>, window_params = [{transform_indices = @transform_0, window_bounds = array<i64: 2000, 128>}, {pipeline_mode = #tpu.pipeline_mode<synchronous>, transform_indices = @transform_1, window_bounds = array<i64: 128, 384>}, {transform_indices = @transform_2, window_bounds = array<i64: 2000, 128>}, {transform_indices = @transform_3, window_bounds = array<i64: 2000, 128>}, {transform_indices = @transform_4, window_bounds = array<i64: 2000, 128>}]} {
    %get3A = arith.constant 0 : index
    %get3A_0 = arith.constant 0 : index
    %get3A_1 = vector.load %arg1[%get3A, %get3A_0] : memref<2000x128xf32, #tpu.memory_space<vmem>>, vector<2000x128xf32>
    %get3A_2 = arith.constant 0 : index
    %get3A_3 = arith.constant 0 : index
    %get3A_4 = vector.load %arg2[%get3A_2, %get3A_3] : memref<128x384xf32, #tpu.memory_space<vmem>>, vector<128x384xf32>
    %dot_general3A = arith.constant dense<0.000000e+00> : vector<2000x384xf32>
    %dot_general3A_5 = tpu.matmul %get3A_1, %get3A_4, %dot_general3A {dimension_numbers = #tpu.dot_dimension_numbers<[1], [0], [0], [1], [0, 0, 1, 1], [], []>, transpose_lhs_hint = false} : vector<2000x128xf32>, vector<128x384xf32>, vector<2000x384xf32> -> vector<2000x384xf32>
    %slice3A = vector.extract_strided_slice %dot_general3A_5 {offsets = [0, 0], sizes = [2000, 128], strides = [1, 1]} : vector<2000x384xf32> to vector<2000x128xf32>
    %swap3A = arith.constant 0 : index
    %swap3A_6 = arith.constant 0 : index
    %swap3A_7 = vector.load %arg3[%swap3A, %swap3A_6] : memref<2000x128xf32, #tpu.memory_space<vmem>>, vector<2000x128xf32>
    tpu.vector_store %arg3[%swap3A, %swap3A_6], %slice3A {strides = array<i32>} : memref<2000x128xf32, #tpu.memory_space<vmem>>, vector<2000x128xf32>,
    %slice3A_8 = vector.extract_strided_slice %dot_general3A_5 {offsets = [0, 128], sizes = [2000, 128], strides = [1, 1]} : vector<2000x384xf32> to vector<2000x128xf32>
    %swap3A_9 = arith.constant 0 : index
    %swap3A_10 = arith.constant 0 : index
    %swap3A_11 = vector.load %arg4[%swap3A_9, %swap3A_10] : memref<2000x128xf32, #tpu.memory_space<vmem>>, vector<2000x128xf32>
    tpu.vector_store %arg4[%swap3A_9, %swap3A_10], %slice3A_8 {strides = array<i32>} : memref<2000x128xf32, #tpu.memory_space<vmem>>, vector<2000x128xf32>,
    %slice3A_12 = vector.extract_strided_slice %dot_general3A_5 {offsets = [0, 256], sizes = [2000, 128], strides = [1, 1]} : vector<2000x384xf32> to vector<2000x128xf32>
    %swap3A_13 = arith.constant 0 : index
    %swap3A_14 = arith.constant 0 : index
    %swap3A_15 = vector.load %arg5[%swap3A_13, %swap3A_14] : memref<2000x128xf32, #tpu.memory_space<vmem>>, vector<2000x128xf32>
    tpu.vector_store %arg5[%swap3A_13, %swap3A_14], %slice3A_12 {strides = array<i32>} : memref<2000x128xf32, #tpu.memory_space<vmem>>, vector<2000x128xf32>,
    return
  }
  func.func @transform_0(%arg0: i32) -> (i32, i32) {
    %c0_i32 = arith.constant 0 : i32
    %c0_i32_0 = arith.constant 0 : i32
    return %arg0, %c0_i32 : i32, i32
  }
  func.func @transform_1(%arg0: i32) -> (i32, i32) {
    %c0_i32 = arith.constant 0 : i32
    %c0_i32_0 = arith.constant 0 : i32
    %c0_i32_1 = arith.constant 0 : i32
    return %c0_i32, %c0_i32_0 : i32, i32
  }
  func.func @transform_2(%arg0: i32) -> (i32, i32) {
    %c0_i32 = arith.constant 0 : i32
    %c0_i32_0 = arith.constant 0 : i32
    return %arg0, %c0_i32 : i32, i32
  }
  func.func @transform_3(%arg0: i32) -> (i32, i32) {
    %c0_i32 = arith.constant 0 : i32
    %c0_i32_0 = arith.constant 0 : i32
    return %arg0, %c0_i32 : i32, i32
  }
  func.func @transform_4(%arg0: i32) -> (i32, i32) {
    %c0_i32 = arith.constant 0 : i32
    %c0_i32_0 = arith.constant 0 : i32
    return %arg0, %c0_i32 : i32, i32
  }
}

module attributes {stable_mosaic.version = 14 : i64} {
  func.func @body(%arg0: i32, %arg1: memref<8000x128xf32, #tpu.memory_space<vmem>>, %arg2: memref<8000x16xf32, #tpu.memory_space<vmem>>, %arg3: memref<16x128xf32, #tpu.memory_space<vmem>>, %arg4: memref<1x128xf32, #tpu.memory_space<vmem>>, %arg5: memref<128x16xf32, #tpu.memory_space<vmem>>, %arg6: memref<1x16xf32, #tpu.memory_space<vmem>>, %arg7: memref<8000x16xf32, #tpu.memory_space<vmem>>, %arg8: memref<1000x128xf32, #tpu.memory_space<vmem>>) attributes {dimension_semantics = [#tpu.dimension_semantics<arbitrary>], iteration_bounds = array<i64: 40>, scalar_prefetch = 0 : i64, scratch_operands = 0 : i64, tpu.core_type = #tpu.core_type<tc>, window_params = [{transform_indices = @transform_0, window_bounds = array<i64: 8000, 128>}, {transform_indices = @transform_1, window_bounds = array<i64: 8000, 16>}, {pipeline_mode = #tpu.pipeline_mode<synchronous>, transform_indices = @transform_2, window_bounds = array<i64: 16, 128>}, {pipeline_mode = #tpu.pipeline_mode<synchronous>, transform_indices = @transform_3, window_bounds = array<i64: 1, 128>}, {pipeline_mode = #tpu.pipeline_mode<synchronous>, transform_indices = @transform_4, window_bounds = array<i64: 128, 16>}, {pipeline_mode = #tpu.pipeline_mode<synchronous>, transform_indices = @transform_5, window_bounds = array<i64: 1, 16>}, {transform_indices = @transform_6, window_bounds = array<i64: 8000, 16>}, {transform_indices = @transform_7, window_bounds = array<i64: 1000, 128>}]} {
    %get3A = arith.constant 0 : index
    %get3A_0 = arith.constant 0 : index
    %get3A_1 = vector.load %arg1[%get3A, %get3A_0] : memref<8000x128xf32, #tpu.memory_space<vmem>>, vector<8000x128xf32>
    %get3A_2 = arith.constant 0 : index
    %get3A_3 = arith.constant 0 : index
    %get3A_4 = vector.load %arg2[%get3A_2, %get3A_3] : memref<8000x16xf32, #tpu.memory_space<vmem>>, vector<8000x16xf32>
    %get3A_5 = arith.constant 0 : index
    %get3A_6 = arith.constant 0 : index
    %get3A_7 = vector.load %arg3[%get3A_5, %get3A_6] : memref<16x128xf32, #tpu.memory_space<vmem>>, vector<16x128xf32>
    %dot_general3A = arith.constant dense<0.000000e+00> : vector<8000x128xf32>
    %dot_general3A_8 = tpu.matmul %get3A_4, %get3A_7, %dot_general3A {dimension_numbers = #tpu.dot_dimension_numbers<[1], [0], [0], [1], [0, 0, 1, 1], [], []>, transpose_lhs_hint = false} : vector<8000x16xf32>, vector<16x128xf32>, vector<8000x128xf32> -> vector<8000x128xf32>
    %add3A = arith.addf %get3A_1, %dot_general3A_8 : vector<8000x128xf32>
    %get3A_9 = arith.constant 0 : index
    %get3A_10 = arith.constant 0 : index
    %get3A_11 = vector.load %arg4[%get3A_9, %get3A_10] : memref<1x128xf32, #tpu.memory_space<vmem>>, vector<1x128xf32>
    %add3A_12 = vector.broadcast %get3A_11 : vector<1x128xf32> to vector<8000x128xf32>
    %add3A_13 = arith.addf %add3A, %add3A_12 : vector<8000x128xf32>
    %max3A = arith.constant 0.000000e+00 : f32
    %max3A_14 = vector.broadcast %max3A : f32 to vector<8000x128xf32>
    %max3A_15 = arith.maximumf %add3A_13, %max3A_14 : vector<8000x128xf32>
    %get3A_16 = arith.constant 0 : index
    %get3A_17 = arith.constant 0 : index
    %get3A_18 = vector.load %arg5[%get3A_16, %get3A_17] : memref<128x16xf32, #tpu.memory_space<vmem>>, vector<128x16xf32>
    %dot_general3A_19 = arith.constant dense<0.000000e+00> : vector<8000x16xf32>
    %dot_general3A_20 = tpu.matmul %max3A_15, %get3A_18, %dot_general3A_19 {dimension_numbers = #tpu.dot_dimension_numbers<[1], [0], [0], [1], [0, 0, 1, 1], [], []>, transpose_lhs_hint = false} : vector<8000x128xf32>, vector<128x16xf32>, vector<8000x16xf32> -> vector<8000x16xf32>
    %get3A_21 = arith.constant 0 : index
    %get3A_22 = arith.constant 0 : index
    %get3A_23 = vector.load %arg6[%get3A_21, %get3A_22] : memref<1x16xf32, #tpu.memory_space<vmem>>, vector<1x16xf32>
    %add3A_24 = vector.broadcast %get3A_23 : vector<1x16xf32> to vector<8000x16xf32>
    %add3A_25 = arith.addf %dot_general3A_20, %add3A_24 : vector<8000x16xf32>
    %swap3A = arith.constant 0 : index
    %swap3A_26 = arith.constant 0 : index
    %swap3A_27 = vector.load %arg7[%swap3A, %swap3A_26] : memref<8000x16xf32, #tpu.memory_space<vmem>>, vector<8000x16xf32>
    tpu.vector_store %arg7[%swap3A, %swap3A_26], %add3A_25 {strides = array<i32>} : memref<8000x16xf32, #tpu.memory_space<vmem>>, vector<8000x16xf32>,
    %reshape3A = vector.shape_cast %add3A_25 : vector<8000x16xf32> to vector<1000x8x16xf32>
    %slice3A = vector.extract_strided_slice %reshape3A {offsets = [0, 0, 0], sizes = [1000, 1, 16], strides = [1, 1, 1]} : vector<1000x8x16xf32> to vector<1000x1x16xf32>
    %squeeze3A = vector.shape_cast %slice3A : vector<1000x1x16xf32> to vector<1000x16xf32>
    %slice3A_28 = vector.extract_strided_slice %reshape3A {offsets = [0, 1, 0], sizes = [1000, 1, 16], strides = [1, 1, 1]} : vector<1000x8x16xf32> to vector<1000x1x16xf32>
    %squeeze3A_29 = vector.shape_cast %slice3A_28 : vector<1000x1x16xf32> to vector<1000x16xf32>
    %slice3A_30 = vector.extract_strided_slice %reshape3A {offsets = [0, 2, 0], sizes = [1000, 1, 16], strides = [1, 1, 1]} : vector<1000x8x16xf32> to vector<1000x1x16xf32>
    %squeeze3A_31 = vector.shape_cast %slice3A_30 : vector<1000x1x16xf32> to vector<1000x16xf32>
    %slice3A_32 = vector.extract_strided_slice %reshape3A {offsets = [0, 3, 0], sizes = [1000, 1, 16], strides = [1, 1, 1]} : vector<1000x8x16xf32> to vector<1000x1x16xf32>
    %squeeze3A_33 = vector.shape_cast %slice3A_32 : vector<1000x1x16xf32> to vector<1000x16xf32>
    %slice3A_34 = vector.extract_strided_slice %reshape3A {offsets = [0, 4, 0], sizes = [1000, 1, 16], strides = [1, 1, 1]} : vector<1000x8x16xf32> to vector<1000x1x16xf32>
    %squeeze3A_35 = vector.shape_cast %slice3A_34 : vector<1000x1x16xf32> to vector<1000x16xf32>
    %slice3A_36 = vector.extract_strided_slice %reshape3A {offsets = [0, 5, 0], sizes = [1000, 1, 16], strides = [1, 1, 1]} : vector<1000x8x16xf32> to vector<1000x1x16xf32>
    %squeeze3A_37 = vector.shape_cast %slice3A_36 : vector<1000x1x16xf32> to vector<1000x16xf32>
    %slice3A_38 = vector.extract_strided_slice %reshape3A {offsets = [0, 6, 0], sizes = [1000, 1, 16], strides = [1, 1, 1]} : vector<1000x8x16xf32> to vector<1000x1x16xf32>
    %squeeze3A_39 = vector.shape_cast %slice3A_38 : vector<1000x1x16xf32> to vector<1000x16xf32>
    %slice3A_40 = vector.extract_strided_slice %reshape3A {offsets = [0, 7, 0], sizes = [1000, 1, 16], strides = [1, 1, 1]} : vector<1000x8x16xf32> to vector<1000x1x16xf32>
    %squeeze3A_41 = vector.shape_cast %slice3A_40 : vector<1000x1x16xf32> to vector<1000x16xf32>
    %concatenate3A = tpu.concatenate %squeeze3A, %squeeze3A_29, %squeeze3A_31, %squeeze3A_33, %squeeze3A_35, %squeeze3A_37, %squeeze3A_39, %squeeze3A_41 in 1 : vector<1000x16xf32>, vector<1000x16xf32>, vector<1000x16xf32>, vector<1000x16xf32>, vector<1000x16xf32>, vector<1000x16xf32>, vector<1000x16xf32>, vector<1000x16xf32> -> vector<1000x128xf32>
    %swap3A_42 = arith.constant 0 : index
    %swap3A_43 = arith.constant 0 : index
    %swap3A_44 = vector.load %arg8[%swap3A_42, %swap3A_43] : memref<1000x128xf32, #tpu.memory_space<vmem>>, vector<1000x128xf32>
    tpu.vector_store %arg8[%swap3A_42, %swap3A_43], %concatenate3A {strides = array<i32>} : memref<1000x128xf32, #tpu.memory_space<vmem>>, vector<1000x128xf32>,
    return
  }
  func.func @transform_0(%arg0: i32) -> (i32, i32) {
    %c0_i32 = arith.constant 0 : i32
    %c0_i32_0 = arith.constant 0 : i32
    return %arg0, %c0_i32 : i32, i32
  }
  func.func @transform_1(%arg0: i32) -> (i32, i32) {
    %c0_i32 = arith.constant 0 : i32
    %c0_i32_0 = arith.constant 0 : i32
    return %arg0, %c0_i32 : i32, i32
  }
  func.func @transform_2(%arg0: i32) -> (i32, i32) {
    %c0_i32 = arith.constant 0 : i32
    %c0_i32_0 = arith.constant 0 : i32
    %c0_i32_1 = arith.constant 0 : i32
    return %c0_i32, %c0_i32_0 : i32, i32
  }
  func.func @transform_3(%arg0: i32) -> (i32, i32) {
    %c0_i32 = arith.constant 0 : i32
    %c0_i32_0 = arith.constant 0 : i32
    %c0_i32_1 = arith.constant 0 : i32
    return %c0_i32, %c0_i32_0 : i32, i32
  }
  func.func @transform_4(%arg0: i32) -> (i32, i32) {
    %c0_i32 = arith.constant 0 : i32
    %c0_i32_0 = arith.constant 0 : i32
    %c0_i32_1 = arith.constant 0 : i32
    return %c0_i32, %c0_i32_0 : i32, i32
  }
  func.func @transform_5(%arg0: i32) -> (i32, i32) {
    %c0_i32 = arith.constant 0 : i32
    %c0_i32_0 = arith.constant 0 : i32
    %c0_i32_1 = arith.constant 0 : i32
    return %c0_i32, %c0_i32_0 : i32, i32
  }
  func.func @transform_6(%arg0: i32) -> (i32, i32) {
    %c0_i32 = arith.constant 0 : i32
    %c0_i32_0 = arith.constant 0 : i32
    return %arg0, %c0_i32 : i32, i32
  }
  func.func @transform_7(%arg0: i32) -> (i32, i32) {
    %c0_i32 = arith.constant 0 : i32
    %c0_i32_0 = arith.constant 0 : i32
    return %arg0, %c0_i32 : i32, i32
  }
}

module attributes {stable_mosaic.version = 14 : i64} {
  func.func @body(%arg0: i32, %arg1: memref<2000x128xf32, #tpu.memory_space<vmem>>, %arg2: memref<2x2000x16xf32, #tpu.memory_space<vmem>>, %arg3: memref<2x2000x16xf32, #tpu.memory_space<vmem>>, %arg4: memref<16x128xf32, #tpu.memory_space<vmem>>, %arg5: memref<1x128xf32, #tpu.memory_space<vmem>>, %arg6: memref<128x128xf32, #tpu.memory_space<vmem>>, %arg7: memref<1x128xf32, #tpu.memory_space<vmem>>, %arg8: memref<2000x128xf32, #tpu.memory_space<vmem>>) attributes {dimension_semantics = [#tpu.dimension_semantics<arbitrary>], iteration_bounds = array<i64: 5>, scalar_prefetch = 0 : i64, scratch_operands = 0 : i64, tpu.core_type = #tpu.core_type<tc>, window_params = [{transform_indices = @transform_0, window_bounds = array<i64: 2000, 128>}, {transform_indices = @transform_1, window_bounds = array<i64: 2, 2000, 16>}, {transform_indices = @transform_2, window_bounds = array<i64: 2, 2000, 16>}, {pipeline_mode = #tpu.pipeline_mode<synchronous>, transform_indices = @transform_3, window_bounds = array<i64: 16, 128>}, {pipeline_mode = #tpu.pipeline_mode<synchronous>, transform_indices = @transform_4, window_bounds = array<i64: 1, 128>}, {pipeline_mode = #tpu.pipeline_mode<synchronous>, transform_indices = @transform_5, window_bounds = array<i64: 128, 128>}, {pipeline_mode = #tpu.pipeline_mode<synchronous>, transform_indices = @transform_6, window_bounds = array<i64: 1, 128>}, {transform_indices = @transform_7, window_bounds = array<i64: 2000, 128>}]} {
    %get3A = arith.constant 0 : index
    %get3A_0 = arith.constant 0 : index
    %get3A_1 = arith.constant 0 : index
    %get3A_2 = vector.load %arg2[%get3A, %get3A_0, %get3A_1] : memref<2x2000x16xf32, #tpu.memory_space<vmem>>, vector<1x2000x16xf32>
    %get3A_3 = vector.shape_cast %get3A_2 : vector<1x2000x16xf32> to vector<2000x16xf32>
    %get3A_4 = arith.constant 1 : index
    %get3A_5 = arith.constant 0 : index
    %get3A_6 = arith.constant 0 : index
    %get3A_7 = vector.load %arg2[%get3A_4, %get3A_5, %get3A_6] : memref<2x2000x16xf32, #tpu.memory_space<vmem>>, vector<1x2000x16xf32>
    %get3A_8 = vector.shape_cast %get3A_7 : vector<1x2000x16xf32> to vector<2000x16xf32>
    %add3A = arith.addf %get3A_3, %get3A_8 : vector<2000x16xf32>
    %get3A_9 = arith.constant 0 : index
    %get3A_10 = arith.constant 0 : index
    %get3A_11 = arith.constant 0 : index
    %get3A_12 = vector.load %arg3[%get3A_9, %get3A_10, %get3A_11] : memref<2x2000x16xf32, #tpu.memory_space<vmem>>, vector<1x2000x1xf32>
    %get3A_13 = vector.shape_cast %get3A_12 : vector<1x2000x1xf32> to vector<2000x1xf32>
    %get3A_14 = arith.constant 1 : index
    %get3A_15 = arith.constant 0 : index
    %get3A_16 = arith.constant 0 : index
    %get3A_17 = vector.load %arg3[%get3A_14, %get3A_15, %get3A_16] : memref<2x2000x16xf32, #tpu.memory_space<vmem>>, vector<1x2000x1xf32>
    %get3A_18 = vector.shape_cast %get3A_17 : vector<1x2000x1xf32> to vector<2000x1xf32>
    %add3A_19 = arith.addf %get3A_13, %get3A_18 : vector<2000x1xf32>
    %max3A = arith.constant 1.000000e+00 : f32
    %max3A_20 = vector.broadcast %max3A : f32 to vector<2000x1xf32>
    %max3A_21 = arith.maximumf %add3A_19, %max3A_20 : vector<2000x1xf32>
    %div3A = vector.broadcast %max3A_21 : vector<2000x1xf32> to vector<2000x16xf32>
    %div3A_22 = arith.divf %add3A, %div3A : vector<2000x16xf32>
    %get3A_23 = arith.constant 0 : index
    %get3A_24 = arith.constant 0 : index
    %get3A_25 = vector.load %arg1[%get3A_23, %get3A_24] : memref<2000x128xf32, #tpu.memory_space<vmem>>, vector<2000x128xf32>
    %get3A_26 = arith.constant 0 : index
    %get3A_27 = arith.constant 0 : index
    %get3A_28 = vector.load %arg4[%get3A_26, %get3A_27] : memref<16x128xf32, #tpu.memory_space<vmem>>, vector<16x128xf32>
    %dot_general3A = arith.constant dense<0.000000e+00> : vector<2000x128xf32>
    %dot_general3A_29 = tpu.matmul %div3A_22, %get3A_28, %dot_general3A {dimension_numbers = #tpu.dot_dimension_numbers<[1], [0], [0], [1], [0, 0, 1, 1], [], []>, transpose_lhs_hint = false} : vector<2000x16xf32>, vector<16x128xf32>, vector<2000x128xf32> -> vector<2000x128xf32>
    %add3A_30 = arith.addf %get3A_25, %dot_general3A_29 : vector<2000x128xf32>
    %get3A_31 = arith.constant 0 : index
    %get3A_32 = arith.constant 0 : index
    %get3A_33 = vector.load %arg5[%get3A_31, %get3A_32] : memref<1x128xf32, #tpu.memory_space<vmem>>, vector<1x128xf32>
    %add3A_34 = vector.broadcast %get3A_33 : vector<1x128xf32> to vector<2000x128xf32>
    %add3A_35 = arith.addf %add3A_30, %add3A_34 : vector<2000x128xf32>
    %max3A_36 = arith.constant 0.000000e+00 : f32
    %max3A_37 = vector.broadcast %max3A_36 : f32 to vector<2000x128xf32>
    %max3A_38 = arith.maximumf %add3A_35, %max3A_37 : vector<2000x128xf32>
    %get3A_39 = arith.constant 0 : index
    %get3A_40 = arith.constant 0 : index
    %get3A_41 = vector.load %arg6[%get3A_39, %get3A_40] : memref<128x128xf32, #tpu.memory_space<vmem>>, vector<128x128xf32>
    %dot_general3A_42 = arith.constant dense<0.000000e+00> : vector<2000x128xf32>
    %dot_general3A_43 = tpu.matmul %max3A_38, %get3A_41, %dot_general3A_42 {dimension_numbers = #tpu.dot_dimension_numbers<[1], [0], [0], [1], [0, 0, 1, 1], [], []>, transpose_lhs_hint = false} : vector<2000x128xf32>, vector<128x128xf32>, vector<2000x128xf32> -> vector<2000x128xf32>
    %get3A_44 = arith.constant 0 : index
    %get3A_45 = arith.constant 0 : index
    %get3A_46 = vector.load %arg7[%get3A_44, %get3A_45] : memref<1x128xf32, #tpu.memory_space<vmem>>, vector<1x128xf32>
    %add3A_47 = vector.broadcast %get3A_46 : vector<1x128xf32> to vector<2000x128xf32>
    %add3A_48 = arith.addf %dot_general3A_43, %add3A_47 : vector<2000x128xf32>
    %swap3A = arith.constant 0 : index
    %swap3A_49 = arith.constant 0 : index
    %swap3A_50 = vector.load %arg8[%swap3A, %swap3A_49] : memref<2000x128xf32, #tpu.memory_space<vmem>>, vector<2000x128xf32>
    tpu.vector_store %arg8[%swap3A, %swap3A_49], %add3A_48 {strides = array<i32>} : memref<2000x128xf32, #tpu.memory_space<vmem>>, vector<2000x128xf32>,
    return
  }
  func.func @transform_0(%arg0: i32) -> (i32, i32) {
    %c0_i32 = arith.constant 0 : i32
    %c0_i32_0 = arith.constant 0 : i32
    return %arg0, %c0_i32 : i32, i32
  }
  func.func @transform_1(%arg0: i32) -> (i32, i32, i32) {
    %c0_i32 = arith.constant 0 : i32
    %c0_i32_0 = arith.constant 0 : i32
    %c0_i32_1 = arith.constant 0 : i32
    return %c0_i32, %arg0, %c0_i32_0 : i32, i32, i32
  }
  func.func @transform_2(%arg0: i32) -> (i32, i32, i32) {
    %c0_i32 = arith.constant 0 : i32
    %c0_i32_0 = arith.constant 0 : i32
    %c0_i32_1 = arith.constant 0 : i32
    return %c0_i32, %arg0, %c0_i32_0 : i32, i32, i32
  }
  func.func @transform_3(%arg0: i32) -> (i32, i32) {
    %c0_i32 = arith.constant 0 : i32
    %c0_i32_0 = arith.constant 0 : i32
    %c0_i32_1 = arith.constant 0 : i32
    return %c0_i32, %c0_i32_0 : i32, i32
  }
  func.func @transform_4(%arg0: i32) -> (i32, i32) {
    %c0_i32 = arith.constant 0 : i32
    %c0_i32_0 = arith.constant 0 : i32
    %c0_i32_1 = arith.constant 0 : i32
    return %c0_i32, %c0_i32_0 : i32, i32
  }
  func.func @transform_5(%arg0: i32) -> (i32, i32) {
    %c0_i32 = arith.constant 0 : i32
    %c0_i32_0 = arith.constant 0 : i32
    %c0_i32_1 = arith.constant 0 : i32
    return %c0_i32, %c0_i32_0 : i32, i32
  }
  func.func @transform_6(%arg0: i32) -> (i32, i32) {
    %c0_i32 = arith.constant 0 : i32
    %c0_i32_0 = arith.constant 0 : i32
    %c0_i32_1 = arith.constant 0 : i32
    return %c0_i32, %c0_i32_0 : i32, i32
  }
  func.func @transform_7(%arg0: i32) -> (i32, i32) {
    %c0_i32 = arith.constant 0 : i32
    %c0_i32_0 = arith.constant 0 : i32
    return %arg0, %c0_i32 : i32, i32
  }
}

</mosaic_0001>

<sc_bundles>
// kernel: kernel.10.cloned.1.call-start
scs
__scs_entry_jumppad:
0x0: {  	(pc) =	sbr.rel $0x88, $3  }
0x1: {  	(tag) =	ssettag $0x0;
	lr =	simm.s32 $0x1  }
0x2: {  	[smem:$0x3F96] =	sst lr;
	_ =	strace $0xD0000000  }
0x3: {  	_ = 	snop  }
0x4: {  	_ = 	snop  }
0x5: {  	_ = 	snop  }
0x6: {  	_ = 	snop  }
0x7: {  	_ = 	snop  }
__scs_overlays_trampoline_lowered:
0x8: {  	[smem:$0x3FA5] =	sst s0  }
0x9: {  	[smem:$0x3FA6] =	sst s1  }
0xa: {  	[smem:$0x3FA7] =	sst s2  }
0xb: {  	[smem:$0x3FA8] =	sst s3  }
0xc: {  	[smem:$0x3FA9] =	sst s4  }
0xd: {  	[smem:$0x3FAA] =	sst s5  }
0xe: {  	[smem:$0x3FAB] =	sst s6  }
0xf: {  	[smem:$0x3FAC] =	sst s7  }
0x10: {  	[smem:$0x3FAD] =	sst s8  }
0x11: {  	[smem:$0x3FAE] =	sst s9;
	s0 =	simm.s32 @!p0 $0x0  }
0x12: {  	s1 =	sld [smem:$0x3F94];
	s0 =	simm.s32 @p0 $0x1  }
0x13: {  	[smem:$0x3FAF] =	sst s0;
	s0 =	simm.s32 @!p1 $0x0  }
0x14: {  	s2 =	sld [smem:$0x3F93];
	s0 =	simm.s32 @p1 $0x1  }
0x15: {  	[smem:$0x3FB0] =	sst s0;
	s0 =	simm.s32 @!p2 $0x0  }
0x16: {  	s3 =	sld [smem:$0x3FDB];
	s0 =	simm.s32 @p2 $0x1  }
0x17: {  	s4 =	simm.s32 $0x1BF5;
	[smem:$0x3FB2] =	sst s0  }
0x18: {  	s0 =	sld [smem:$0x3F95];
	_ =	swait.ge [sflag:s4], $0x0  }
0x19: {  	s7 =	sld [smem:$0x3F96]  }
0x1a: {  	s8 =	sadd.s32 $0xFFFFE003, lr  }
0x1b: {  	s9 =	sadd.s32 $0xFFFFFEF7, lr;
	s5 =	simm.s32 $0xFFFFFFFF;
	p2 =	slt.u32 s8, $0xFFFFF086  }
0x1c: {  	p1 =	slt.u32 s9, $0xF7A;
	s5 =	simm.s32 @!p2 $0x0  }
0x1d: {  	s5 =	simm.s32 @p1 $0x1;
	p0 =	seq.s32 s7, s2  }
0x1e: {  	s7 =	smul.u32 @!p0 $0xF7A, s2;
	p2 =	seq.s32 @!p0 s5, $0x0  }
0x1f: {  	s9 =	smul.u32 $0xF7A, s1;
	s8 =	simm.s32 @!p0 $0x1BF5;
	p2 =	por !p2, p0  }
0x20: {  	[sflag:s8] =	ssyncset.s32 @!p0 $0xFFFFF086;
	s6 =	sadd.s32 @!p0 s3, s7;
	s7 =	simm.s32 @!p0 $0x108  }
0x21: {  	s3 =	sadd.s32 s3, s9;
	s6 =	sadd.s32 @!p0 $0x88, s6;
	s7 =	simm.s32 @p2 $0x1082  }
0x22: {  	[simem:s7], [sflag:s8] =	dma.local @!p0 [hbm:s6], $0xF7A  }
0x23: {  	s9 =	sor.u32 $0xD0000000, s2;
	s6 =	simm.s32 $0x108;
	_ =	swait.ge @!p0 [sflag:s8], $0x0  }
0x24: {  	s3 =	sadd.s32 $0x88, s3;
	s6 =	simm.s32 @!p1 $0x1082;
	[sflag:s4] =	ssyncset.s32 $0xFFFFF086  }
0x25: {  	[simem:s6], [sflag:s4] =	dma.local [hbm:s3], $0xF7A  }
0x26: {  	[smem:$0x3F96] =	sst s1;
	(tag) =	ssettag s2;
	_ =	strace s9  }
0x27: {  	s1 =	sld [smem:$0x3FA6]  }
0x28: {  	s2 =	sld [smem:$0x3FA7]  }
0x29: {  	s4 =	sld [smem:$0x3FA9]  }
0x2a: {  	p0 =	seq.s32 s5, $0x0;
	s5 =	sld [smem:$0x3FAA]  }
0x2b: {  	s6 =	sld [smem:$0x3FAB]  }
0x2c: {  	s7 =	sld [smem:$0x3FAC]  }
0x2d: {  	s3 =	simm.s32 $0x108;
	s8 =	sld [smem:$0x3FAD]  }
0x2e: {  	s3 =	simm.s32 @!p0 $0x1082;
	s9 =	sld [smem:$0x3FAE]  }
0x2f: {  	lr =	sadd.s32 s0, s3;
	s0 =	sld [smem:$0x3FA5]  }
0x30: {  	s3 =	sld [smem:$0x3FA8]  }
0x31: {  	[smem:$0x3FB1] =	sst s10  }
0x32: {  	s10 =	sld [smem:$0x3FAF];
	_ =	sdelay $0x3  }
0x33: {  	p0 =	seq.s32 s10, $0x1;
	s10 =	sld [smem:$0x3FB1];
	_ =	sdelay $0x3  }
0x34: {  	[smem:$0x3FB1] =	sst s10  }
0x35: {  	s10 =	sld [smem:$0x3FB0];
	_ =	sdelay $0x3  }
0x36: {  	p1 =	seq.s32 s10, $0x1;
	s10 =	sld [smem:$0x3FB1];
	_ =	sdelay $0x3  }
0x37: {  	[smem:$0x3FB1] =	sst s10  }
0x38: {  	s10 =	sld [smem:$0x3FB2]  }
0x39: {  	_ = 	snop;
	(pc) =	sbr.ind lr, $3  }
0x3a: {  	_ = 	snop  }
0x3b: {  	_ = 	snop  }
0x3c: {  	p2 =	seq.s32 s10, $0x1;
	s10 =	sld [smem:$0x3FB1]  }
0x3d: {  	_ =	shalt  }
0x3e: {  	_ =	shalt  }
0x3f: {  	_ =	shalt  }
0x40: {  	_ =	shalt  }
0x41: {  	_ =	shalt  }
0x42: {  	_ =	shalt  }
0x43: {  	_ =	shalt  }
0x44: {  	_ =	shalt  }
0x45: {  	_ =	shalt  }
0x46: {  	_ =	shalt  }
0x47: {  	_ =	shalt  }
0x48: {  	_ =	shalt  }
0x49: {  	_ =	shalt  }
0x4a: {  	_ =	shalt  }
0x4b: {  	_ =	shalt  }
0x4c: {  	_ =	shalt  }
0x4d: {  	_ =	shalt  }
0x4e: {  	_ =	shalt  }
0x4f: {  	_ =	shalt  }
0x50: {  	_ =	shalt  }
0x51: {  	_ =	shalt  }
0x52: {  	_ =	shalt  }
0x53: {  	_ =	shalt  }
0x54: {  	_ =	shalt  }
0x55: {  	_ =	shalt  }
0x56: {  	_ =	shalt  }
0x57: {  	_ =	shalt  }
0x58: {  	_ =	shalt  }
0x59: {  	_ =	shalt  }
0x5a: {  	_ =	shalt  }
0x5b: {  	_ =	shalt  }
0x5c: {  	_ =	shalt  }
0x5d: {  	_ =	shalt  }
0x5e: {  	_ =	shalt  }
0x5f: {  	_ =	shalt  }
0x60: {  	_ =	shalt  }
0x61: {  	_ =	shalt  }
0x62: {  	_ =	shalt  }
0x63: {  	_ =	shalt  }
0x64: {  	_ =	shalt  }
0x65: {  	_ =	shalt  }
0x66: {  	_ =	shalt  }
0x67: {  	_ =	shalt  }
0x68: {  	_ =	shalt  }
0x69: {  	_ =	shalt  }
0x6a: {  	_ =	shalt  }
0x6b: {  	_ =	shalt  }
0x6c: {  	_ =	shalt  }
0x6d: {  	_ =	shalt  }
0x6e: {  	_ =	shalt  }
0x6f: {  	_ =	shalt  }
0x70: {  	_ =	shalt  }
0x71: {  	_ =	shalt  }
0x72: {  	_ =	shalt  }
0x73: {  	_ =	shalt  }
0x74: {  	_ =	shalt  }
0x75: {  	_ =	shalt  }
0x76: {  	_ =	shalt  }
0x77: {  	_ =	shalt  }
0x78: {  	_ =	shalt  }
0x79: {  	_ =	shalt  }
0x7a: {  	_ =	shalt  }
0x7b: {  	_ =	shalt  }
0x7c: {  	_ =	shalt  }
0x7d: {  	_ =	shalt  }
0x7e: {  	_ =	shalt  }
0x7f: {  	_ =	shalt  }
0x80: {  	_ =	shalt  }
0x81: {  	_ =	shalt  }
0x82: {  	_ =	shalt  }
0x83: {  	_ =	shalt  }
0x84: {  	_ =	shalt  }
0x85: {  	_ =	shalt  }
0x86: {  	_ =	shalt  }
0x87: {  	_ =	shalt  }
.Lfunc_end0:
.L_simem_size_0:
called_computation.1_lowered:
.L_overlay_start_0:
0x88: {  	s2 =	sld [smem:$0x3FD9]  }
0x89: {  	s3 =	sld [smem:$0x3FFE];
	_ =	sdelay $0x1  }
0x8a: {  	s1 =	srdreg.scid  }
0x8b: {  	s0 =	sand.u32 $0x1, s1  }
0x8c: {  	s16 =	sshll.u32 s0, $0xA;
	s2 =	sadd.s32 s3, s2  }
0x8d: {  	s2 =	sadd.s32 s2, s16  }
0x8e: {  	[smem:$0x3FBD] =	sst s2  }
0x8f: {  	_ = 	snop  }
0x90: {  	(tm) =	ssettm $0x1  }
0x91: {  	s17 =	sld [smem:$0x3FFB];
	_ =	sdelay $0x3  }
0x92: {  	_ =	strace s17  }
0x93: {  	s2 =	sld [smem:$0x3FFC];
	_ =	sdelay $0x3  }
0x94: {  	_ =	strace s2  }
0x95: {  	s2 =	sld [smem:$0x3FFD];
	_ =	sdelay $0x3  }
0x96: {  	_ =	strace s2  }
0x97: {  	_ =	strace $0x8FFFFFFF  }
0x98: {  	s18 =	sld [smem:$0x3FDB];
	_ =	sdelay $0x1  }
0x99: {  	s19 =	simm.s32 $_scs_section_size  }
0x9a: {  	s4 =	simm.s32 $_size__tile_overlayer_lowered;
	s5 =	simm.s32 $_tile_overlayer_lowered  }
0x9b: {  	s22 =	simm.s32 $0x1BFF;
	s21 =	sshll.u32 s5, $0x1;
	s2 =	sadd.s32 s19, s18  }
0x9c: {  	s6 =	simm.s32 $0x0;
	s20 =	sshll.u32 s4, $0x1;
	s4 =	sadd.s32 s21, s2  }
0x9d: {  	[timem:s6], [sflag:s22] =	dma.local [hbm:s4], s20  }
0x9e: {  	_ =	swait.ge [sflag:s22], s20  }
0x9f: {  	s3 =	ssub.s32 $0x0, s20;
	[sflag:s22] =	ssyncset.done $0x0  }
0xa0: {  	[sflag:s22] =	ssyncadd.s32 s3;
	_ =	sdelay $0x1  }
0xa1: {  	s23 =	simm.s32 $0x1B8B  }
0xa2: {  	_ =	swait.ge [sflag:s23], $0x1  }
0xa3: {  	[sflag:s23] =	ssyncset.done $0x0  }
0xa4: {  	s25 =	simm.s32 $0x1B8E;
	s24 =	sld [smem:$0x3FFE];
	[sflag:s23] =	ssyncadd.s32 $0xFFFFFFFF  }
0xa5: {  	s26 =	simm.s32 $execute0_lowered;
	[smem:$0x3FD2] =	sst s25  }
0xa6: {  	s4 =	sshll.u32 s26, $0x1;
	_ =	strace $0x80000049;
	[dreg:$0x1] =	wrdreg $0xFFFFFFFF  }
0xa7: {  	s28 =	simm.s32 $_size_execute0_lowered;
	s2 =	sadd.s32 s2, s4;
	[dreg:$0x0] =	wrdreg $0x0  }
0xa8: {  	s4 =	sshll.u32 s28, $0x1;
	[dreg:$0x2] =	wrdreg s2  }
0xa9: {  	[dreg:$0x3] =	wrdreg s4  }
0xaa: {  	[dreg:$0x4] =	wrdreg $0xC0  }
0xab: {  	_ =	task [dreg:s6], $0x5FFFF  }
0xac: {  	[dreg:$0x1] =	wrdreg $0xFFFFFFFF  }
0xad: {  	[dreg:$0x0] =	wrdreg $0x60  }
0xae: {  	[dreg:$0x2] =	wrdreg s24  }
0xaf: {  	[dreg:$0x3] =	wrdreg $0x33900  }
0xb0: {  	[dreg:$0x4] =	wrdreg $0x5B100  }
0xb1: {  	[dreg:$0x5] =	wrdreg $0x9  }
0xb2: {  	_ =	task.clear_ibuf [dreg:s6], $0x6FFFF;
	_ =	strace $0x90000049  }
0xb3: {  	s29 =	simm.s32 $0x9;
	_ =	strace $0x8000004B  }
0xb4: {  	_ =	swait.ge [sflag:s29], $0x1  }
0xb5: {  	[sflag:s29] =	ssyncadd.s32 $0xFFFFFFFF  }
0xb6: {  	_ =	strace $0x9000004B  }
0xb7: {  	_ =	sfence  }
0xb8: {  	s30 =	sld [smem:$0x0];
	_ =	sdelay $0x2  }
0xb9: {  	s31 =	sshll.u32 s1, $0xD;
	s1 =	sshrl.u32 s1, $0x2  }
0xba: {  	s3 =	sand.u32 $0x4000, s31;
	s1 =	sadd.s32 s1, s30  }
0xbb: {  	s0 =	sor.u32 s3, s0;
	s1 =	sshll.u32 s1, $0x11  }
0xbc: {  	s0 =	sor.u32 s1, s0  }
0xbd: {  	s0 =	sadd.s32 $0x8F2B, s0  }
0xbe: {  	[sflag:s0] =	ssyncadd.remote.s32 $0x1  }
0xbf: {  	_ =	sfence.sel $0xFFFF  }
0xc0: {  	[dreg:$0x0] =	wrdreg $0xFFFFFFFF;
	(pc) =	sbr.abs _section_cstart, $3  }
0xc1: {  	[dreg:$0x1] =	wrdreg $0xFFFFFFFF  }
0xc2: {  	_ =	task.clear_ibuf [dreg:s6], $0x2FFFF;
	_ =	strace $0x9FFFFFFF  }
0xc3: {  	(tm) =	ssettm $0x7FFFFFFF  }
tec
execute0_lowered:
.L_overlay_start_1:
0x0: {  	(tag) =	ssettag $0x1  }
0x1: {  	s7 =	rddreg [dreg:$0x0];
	s0 =	stileid.u32  }
0x2: {  	s2 =	rddreg [dreg:$0x1];
	s5 =	smul.u32 $0x4E20, s0  }
0x3: {  	s1 =	srdreg.scid;
	s9 =	smul.u32 $0x9C40, s0  }
0x4: {  	s3 =	rddreg [dreg:$0x2];
	s4 =	simm.s32 $0x0;
	s10 =	smul.u32 $0x278, s0  }
0x5: {  	s17 =	simm.s32 $0x190;
	s8 =	sand.u32 $0x1, s1;
	s13 =	smul.u32 $0x2780, s0  }
0x6: {  	s18 =	simm.s32 $0x0;
	s1 =	rddreg [dreg:$0x3];
	s6 =	smul.u32 $0x2710, s8  }
0x7: {  	[smem:$0x7FF] =	sst s4;
	s31 =	sshll.u32 s0, $0x6;
	s11 =	smul.u32 $0x2780, s8  }
0x8: {  	_ =	strace $0x8000004A;
	s29 =	ssub.s32 $0x2, s8;
	s8 =	smul.u32 $0x4E20, s8  }
0x9: {  	s9 =	sadd.s32 s9, s7;
	s14 =	sshrl.u32 s29, $0x1;
	s15 =	sadd.s32 s13, s2  }
0xa: {  	s16 =	sadd.s32 s13, s3;
	s13 =	simm.s32 $0x1;
	s5 =	sadd.s32 s6, s5  }
0xb: {  	s6 =	sadd.s32 $0x3600, s7;
	s10 =	sadd.s32 s10, s11;
	s11 =	ssub.s32 s29, s14  }
0xc: {  	s30 =	sadd.s32 s8, s9;
	s14 =	sor.u32 $0x1C01, s31;
	s15 =	sshrl.u32 s15, $0x3  }
0xd: {  	s16 =	sshrl.u32 s16, $0x3;
	s5 =	sshrl.u32 s5, $0x3;
	s10 =	sshll.u32 s10, $0x1  }
0xe: {  	s9 =	smax.u32 s11, $0x1;
	s12 =	sadd.s32 s5, s7;
	s10 =	sadd.s32 s10, s7  }
0xf: {  	s5 =	sadd.s32 $0x3000, s7;
	s7 =	sadd.s32 $0xB3000, s10;
	s8 =	sadd.s32 $0xBCE00, s10  }
0x10: {  	s10 =	sadd.s32 $0x16C00, s30;
	s11 =	sadd.s32 $0xCE00, s12;
	s12 =	simm.s32 $0x1A90  }
.LBB2_1:
0x11: {  	[tilespmem:s12], [sflag:$0x1] =	stream.linear.gather [hbm4b:s6+s4], $0x1900, $0x38;
	[tilespmem:$0x8290] =	vst v63  }
0x12: {  	_ =	swait.ge [sflag:s13], $0x1900  }
0x13: {  	[sflag:s13] =	ssyncset.done $0x0  }
0x14: {  	[sflag:s13] =	ssyncadd.s32 $0xFFFFE700  }
0x15: {  	[spmem:s15], [sflag:s14] =	dma.local [hbm:s5], $0x4F0  }
0x16: {  	_ =	swait.ge [sflag:s13], $0x4F0  }
0x17: {  	[sflag:s13] =	ssyncset.done $0x0  }
0x18: {  	[sflag:s13] =	ssyncadd.s32 $0xFFFFFB10  }
0x19: {  	[spmem:s16], [sflag:s14] =	dma.local [hbm:s5], $0x4F0  }
0x1a: {  	_ =	swait.ge [sflag:s13], $0x4F0  }
0x1b: {  	[sflag:s13] =	ssyncset.done $0x0  }
0x1c: {  	[sflag:s13] =	ssyncadd.s32 $0xFFFFFB10  }
0x1d: {  	s19 =	sadd.s32 $0x0, s11;
	[bflag:$0x0] =	sbarrier.arrive $0xFFFF  }
0x1e: {  	[tilespmem:s4], [sflag:$0x1] =	stream.linear.gather [hbm4b:s19+s4], $0x190, $0x38;
	[tilespmem:$0x8290] =	vst v63  }
0x1f: {  	_ =	swait.ge [sflag:s13], $0x190  }
0x20: {  	[sflag:s13] =	ssyncset.done $0x0  }
0x21: {  	[sflag:s13] =	ssyncadd.s32 $0xFFFFFE70  }
0x22: {  	[tilespmem:s17], [sflag:$0x1] =	stream.linear.gather [hbm4b:s10+s4], $0x1900, $0x38;
	[tilespmem:$0x8290] =	vst v63  }
0x23: {  	_ =	swait.ge [sflag:s13], $0x1900  }
0x24: {  	[sflag:s13] =	ssyncset.done $0x0  }
0x25: {  	[sflag:s13] =	ssyncadd.s32 $0xFFFFE700  }
0x26: {  	[spmem:s2] =	stream.indirect.scatter.add.f32 [tilespmem:s17], [sflag:$0x1], $0x10, s4, s17, $0xb8;
	[tilespmem:$0x8290] =	vst v63  }
0x27: {  	_ =	swait.ge [sflag:s13], $0x1900  }
0x28: {  	[sflag:s13] =	ssyncset.done $0x0  }
0x29: {  	[sflag:s13] =	ssyncadd.s32 $0xFFFFE700  }
0x2a: {  	[spmem:s3] =	stream.indirect.scatter.add.f32 [tilespmem:s12], [sflag:$0x1], $0x10, s4, s17, $0xb8;
	[tilespmem:$0x8290] =	vst v63  }
0x2b: {  	s20 =	simm.s32 $0x32;
	_ =	swait.ge [sflag:s13], $0x1900  }
0x2c: {  	s21 =	simm.s32 $0x64;
	s19 =	sadd.s32 $0x320, s10;
	[sflag:s13] =	ssyncset.done $0x0  }
.LBB2_2:
0x2d: {  	s22 =	sadd.s32 s20, s11  }
0x2e: {  	[sflag:s13] =	ssyncadd.s32 $0xFFFFE700;
	s20 =	smov.u32 s21;
	s23 =	sadd.s32 $0x32, s21  }
0x2f: {  	[tilespmem:s4], [sflag:$0x1] =	stream.linear.gather [hbm4b:s22+s4], $0x190, $0x38;
	[tilespmem:$0x8290] =	vst v63  }
0x30: {  	p0 =	sne.s32 s21, $0x4B0;
	_ =	swait.ge [sflag:s13], $0x190  }
0x31: {  	[sflag:s13] =	ssyncset.done $0x0  }
0x32: {  	[sflag:s13] =	ssyncadd.s32 $0xFFFFFE70  }
0x33: {  	[tilespmem:s17], [sflag:$0x1] =	stream.linear.gather [hbm4b:s19+s4], $0x1900, $0x38;
	[tilespmem:$0x8290] =	vst v63  }
0x34: {  	_ =	swait.ge [sflag:s13], $0x1900  }
0x35: {  	[sflag:s13] =	ssyncset.done $0x0  }
0x36: {  	[sflag:s13] =	ssyncadd.s32 $0xFFFFE700  }
0x37: {  	[spmem:s2] =	stream.indirect.scatter.add.f32 [tilespmem:s17], [sflag:$0x1], $0x10, s4, s17, $0xb8;
	[tilespmem:$0x8290] =	vst v63  }
0x38: {  	_ =	swait.ge [sflag:s13], $0x1900  }
.Ltmp0:
0x39: {  	[sflag:s13] =	ssyncset.done $0x0;
	(pc) =	sbr.rel @p0 .LBB2_2-.Ltmp0, $4  }
0x3a: {  	[sflag:s13] =	ssyncadd.s32 $0xFFFFE700  }
0x3b: {  	[spmem:s3] =	stream.indirect.scatter.add.f32 [tilespmem:s12], [sflag:$0x1], $0x10, s4, s17, $0xb8;
	[tilespmem:$0x8290] =	vst v63  }
0x3c: {  	_ =	swait.ge [sflag:s13], $0x1900  }
0x3d: {  	s21 =	smov.u32 s23;
	s19 =	sadd.s32 $0x320, s19;
	[sflag:s13] =	ssyncset.done $0x0  }
0x3e: {  	s20 =	sadd.s32 s20, s11;
	[sflag:s13] =	ssyncadd.s32 $0xFFFFE700  }
0x3f: {  	[tilespmem:s4], [sflag:$0x1] =	stream.linear.gather [hbm4b:s20+s4], $0x190, $0x38;
	[tilespmem:$0x8290] =	vst v63  }
0x40: {  	_ =	swait.ge [sflag:s13], $0x190  }
0x41: {  	[sflag:s13] =	ssyncset.done $0x0  }
0x42: {  	[sflag:s13] =	ssyncadd.s32 $0xFFFFFE70  }
0x43: {  	[tilespmem:s17], [sflag:$0x1] =	stream.linear.gather [hbm4b:s19+s4], $0x1900, $0x38;
	[tilespmem:$0x8290] =	vst v63  }
0x44: {  	_ =	swait.ge [sflag:s13], $0x1900  }
0x45: {  	[sflag:s13] =	ssyncset.done $0x0  }
0x46: {  	[sflag:s13] =	ssyncadd.s32 $0xFFFFE700  }
0x47: {  	[spmem:s2] =	stream.indirect.scatter.add.f32 [tilespmem:s17], [sflag:$0x1], $0x10, s4, s17, $0xb8;
	[tilespmem:$0x8290] =	vst v63  }
0x48: {  	_ =	swait.ge [sflag:s13], $0x1900  }
0x49: {  	[sflag:s13] =	ssyncset.done $0x0  }
0x4a: {  	[sflag:s13] =	ssyncadd.s32 $0xFFFFE700  }
0x4b: {  	[spmem:s3] =	stream.indirect.scatter.add.f32 [tilespmem:s12], [sflag:$0x1], $0x10, s4, s17, $0xb8;
	[tilespmem:$0x8290] =	vst v63  }
0x4c: {  	_ =	swait.ge [sflag:s13], $0x1900  }
0x4d: {  	[sflag:s13] =	ssyncset.done $0x0  }
0x4e: {  	[sflag:s13] =	ssyncadd.s32 $0xFFFFE700  }
0x4f: {  	[bflag:$0x0] =	sbarrier.arrive $0xFFFF  }
0x50: {  	[hbm:s7], [sflag:s14] =	dma.local [spmem:s15], $0x4F0  }
0x51: {  	s18 =	sadd.s32 $0x1, s18;
	_ =	swait.ge [sflag:s13], $0x4F0  }
0x52: {  	p0 =	sne.s32 s18, s9;
	[sflag:s13] =	ssyncset.done $0x0  }
.Ltmp1:
0x53: {  	[sflag:s13] =	ssyncadd.s32 $0xFFFFFB10;
	(pc) =	sbr.rel @p0 .LBB2_1-.Ltmp1, $4  }
0x54: {  	[hbm:s8], [sflag:s14] =	dma.local [spmem:s16], $0x4F0  }
0x55: {  	_ =	swait.ge [sflag:s13], $0x4F0  }
0x56: {  	[sflag:s13] =	ssyncset.done $0x0  }
0x57: {  	[sflag:s13] =	ssyncadd.s32 $0xFFFFFB10  }
0x58: {  	_ =	sfence.sel $0x180000  }
0x59: {  	[bflag:$0x0] =	sbarrier.arrive $0xFFFF  }
0x5a: {  	p0 =	sne.s32 s0, $0x0;
	_ =	strace $0x9000004A  }
0x5b: {  	s0 =	sadd.s32 @!p0 $0x100000, s1;
	[bflag:$0x2] =	sbarrier.arrive $0xFFFF  }
0x5c: {  	[sflag:s0] =	ssyncadd.tile.s32 @!p0 $0x1;
	_ =	shalt  }
.Lfunc_end2:
_tile_overlayer_lowered:
.L_overlay_start_2:
0x5d: {  	(tag) =	ssettag $0x2  }
0x5e: {  	s0 =	rddreg [dreg:$0x0];
	s2 =	stileid.u32  }
0x5f: {  	s1 =	rddreg [dreg:$0x1];
	p0 =	sne.s32 s2, $0x0  }
0x60: {  	s3 =	rddreg [dreg:$0x2];
	[bflag:$0x3] =	sbarrier.arrive $0xFFFF;
	s2 =	simm.s32 @!p0 $0x1C01  }
0x61: {  	[timem:s3], [sflag:s2] =	dma.local @!p0 [hbm:s0], s1  }
0x62: {  	s0 =	simm.s32 @!p0 $0x1  }
0x63: {  	_ =	swait.ge @!p0 [sflag:s0], s1  }
0x64: {  	s1 =	ssub.s32 @!p0 $0x0, s1;
	[sflag:s0] =	ssyncset.done @!p0 $0x0  }
0x65: {  	[sflag:s0] =	ssyncadd.s32 @!p0 s1  }
0x66: {  	[bflag:$0x3] =	sbarrier.arrive $0xFFFF  }
0x67: {  	_ =	shalt  }

// kernel: kernel.7.cloned.1.call-start
scs
__scs_entry_jumppad:
0x0: {  	(pc) =	sbr.rel $0x88, $3  }
0x1: {  	(tag) =	ssettag $0x0;
	lr =	simm.s32 $0x1  }
0x2: {  	[smem:$0x3F96] =	sst lr;
	_ =	strace $0xD0000000  }
0x3: {  	_ = 	snop  }
0x4: {  	_ = 	snop  }
0x5: {  	_ = 	snop  }
0x6: {  	_ = 	snop  }
0x7: {  	_ = 	snop  }
__scs_overlays_trampoline_lowered:
0x8: {  	[smem:$0x3FA5] =	sst s0  }
0x9: {  	[smem:$0x3FA6] =	sst s1  }
0xa: {  	[smem:$0x3FA7] =	sst s2  }
0xb: {  	[smem:$0x3FA8] =	sst s3  }
0xc: {  	[smem:$0x3FA9] =	sst s4  }
0xd: {  	[smem:$0x3FAA] =	sst s5  }
0xe: {  	[smem:$0x3FAB] =	sst s6  }
0xf: {  	[smem:$0x3FAC] =	sst s7  }
0x10: {  	[smem:$0x3FAD] =	sst s8  }
0x11: {  	[smem:$0x3FAE] =	sst s9;
	s0 =	simm.s32 @!p0 $0x0  }
0x12: {  	s1 =	sld [smem:$0x3F94];
	s0 =	simm.s32 @p0 $0x1  }
0x13: {  	[smem:$0x3FAF] =	sst s0;
	s0 =	simm.s32 @!p1 $0x0  }
0x14: {  	s2 =	sld [smem:$0x3F93];
	s0 =	simm.s32 @p1 $0x1  }
0x15: {  	[smem:$0x3FB0] =	sst s0;
	s0 =	simm.s32 @!p2 $0x0  }
0x16: {  	s3 =	sld [smem:$0x3FDB];
	s0 =	simm.s32 @p2 $0x1  }
0x17: {  	s4 =	simm.s32 $0x1BF5;
	[smem:$0x3FB2] =	sst s0  }
0x18: {  	s0 =	sld [smem:$0x3F95];
	_ =	swait.ge [sflag:s4], $0x0  }
0x19: {  	s7 =	sld [smem:$0x3F96]  }
0x1a: {  	s8 =	sadd.s32 $0xFFFFE003, lr  }
0x1b: {  	s9 =	sadd.s32 $0xFFFFFEF7, lr;
	s5 =	simm.s32 $0xFFFFFFFF;
	p2 =	slt.u32 s8, $0xFFFFF086  }
0x1c: {  	p1 =	slt.u32 s9, $0xF7A;
	s5 =	simm.s32 @!p2 $0x0  }
0x1d: {  	s5 =	simm.s32 @p1 $0x1;
	p0 =	seq.s32 s7, s2  }
0x1e: {  	s7 =	smul.u32 @!p0 $0xF7A, s2;
	p2 =	seq.s32 @!p0 s5, $0x0  }
0x1f: {  	s9 =	smul.u32 $0xF7A, s1;
	s8 =	simm.s32 @!p0 $0x1BF5;
	p2 =	por !p2, p0  }
0x20: {  	[sflag:s8] =	ssyncset.s32 @!p0 $0xFFFFF086;
	s6 =	sadd.s32 @!p0 s3, s7;
	s7 =	simm.s32 @!p0 $0x108  }
0x21: {  	s3 =	sadd.s32 s3, s9;
	s6 =	sadd.s32 @!p0 $0x88, s6;
	s7 =	simm.s32 @p2 $0x1082  }
0x22: {  	[simem:s7], [sflag:s8] =	dma.local @!p0 [hbm:s6], $0xF7A  }
0x23: {  	s9 =	sor.u32 $0xD0000000, s2;
	s6 =	simm.s32 $0x108;
	_ =	swait.ge @!p0 [sflag:s8], $0x0  }
0x24: {  	s3 =	sadd.s32 $0x88, s3;
	s6 =	simm.s32 @!p1 $0x1082;
	[sflag:s4] =	ssyncset.s32 $0xFFFFF086  }
0x25: {  	[simem:s6], [sflag:s4] =	dma.local [hbm:s3], $0xF7A  }
0x26: {  	[smem:$0x3F96] =	sst s1;
	(tag) =	ssettag s2;
	_ =	strace s9  }
0x27: {  	s1 =	sld [smem:$0x3FA6]  }
0x28: {  	s2 =	sld [smem:$0x3FA7]  }
0x29: {  	s4 =	sld [smem:$0x3FA9]  }
0x2a: {  	p0 =	seq.s32 s5, $0x0;
	s5 =	sld [smem:$0x3FAA]  }
0x2b: {  	s6 =	sld [smem:$0x3FAB]  }
0x2c: {  	s7 =	sld [smem:$0x3FAC]  }
0x2d: {  	s3 =	simm.s32 $0x108;
	s8 =	sld [smem:$0x3FAD]  }
0x2e: {  	s3 =	simm.s32 @!p0 $0x1082;
	s9 =	sld [smem:$0x3FAE]  }
0x2f: {  	lr =	sadd.s32 s0, s3;
	s0 =	sld [smem:$0x3FA5]  }
0x30: {  	s3 =	sld [smem:$0x3FA8]  }
0x31: {  	[smem:$0x3FB1] =	sst s10  }
0x32: {  	s10 =	sld [smem:$0x3FAF];
	_ =	sdelay $0x3  }
0x33: {  	p0 =	seq.s32 s10, $0x1;
	s10 =	sld [smem:$0x3FB1];
	_ =	sdelay $0x3  }
0x34: {  	[smem:$0x3FB1] =	sst s10  }
0x35: {  	s10 =	sld [smem:$0x3FB0];
	_ =	sdelay $0x3  }
0x36: {  	p1 =	seq.s32 s10, $0x1;
	s10 =	sld [smem:$0x3FB1];
	_ =	sdelay $0x3  }
0x37: {  	[smem:$0x3FB1] =	sst s10  }
0x38: {  	s10 =	sld [smem:$0x3FB2]  }
0x39: {  	_ = 	snop;
	(pc) =	sbr.ind lr, $3  }
0x3a: {  	_ = 	snop  }
0x3b: {  	_ = 	snop  }
0x3c: {  	p2 =	seq.s32 s10, $0x1;
	s10 =	sld [smem:$0x3FB1]  }
0x3d: {  	_ =	shalt  }
0x3e: {  	_ =	shalt  }
0x3f: {  	_ =	shalt  }
0x40: {  	_ =	shalt  }
0x41: {  	_ =	shalt  }
0x42: {  	_ =	shalt  }
0x43: {  	_ =	shalt  }
0x44: {  	_ =	shalt  }
0x45: {  	_ =	shalt  }
0x46: {  	_ =	shalt  }
0x47: {  	_ =	shalt  }
0x48: {  	_ =	shalt  }
0x49: {  	_ =	shalt  }
0x4a: {  	_ =	shalt  }
0x4b: {  	_ =	shalt  }
0x4c: {  	_ =	shalt  }
0x4d: {  	_ =	shalt  }
0x4e: {  	_ =	shalt  }
0x4f: {  	_ =	shalt  }
0x50: {  	_ =	shalt  }
0x51: {  	_ =	shalt  }
0x52: {  	_ =	shalt  }
0x53: {  	_ =	shalt  }
0x54: {  	_ =	shalt  }
0x55: {  	_ =	shalt  }
0x56: {  	_ =	shalt  }
0x57: {  	_ =	shalt  }
0x58: {  	_ =	shalt  }
0x59: {  	_ =	shalt  }
0x5a: {  	_ =	shalt  }
0x5b: {  	_ =	shalt  }
0x5c: {  	_ =	shalt  }
0x5d: {  	_ =	shalt  }
0x5e: {  	_ =	shalt  }
0x5f: {  	_ =	shalt  }
0x60: {  	_ =	shalt  }
0x61: {  	_ =	shalt  }
0x62: {  	_ =	shalt  }
0x63: {  	_ =	shalt  }
0x64: {  	_ =	shalt  }
0x65: {  	_ =	shalt  }
0x66: {  	_ =	shalt  }
0x67: {  	_ =	shalt  }
0x68: {  	_ =	shalt  }
0x69: {  	_ =	shalt  }
0x6a: {  	_ =	shalt  }
0x6b: {  	_ =	shalt  }
0x6c: {  	_ =	shalt  }
0x6d: {  	_ =	shalt  }
0x6e: {  	_ =	shalt  }
0x6f: {  	_ =	shalt  }
0x70: {  	_ =	shalt  }
0x71: {  	_ =	shalt  }
0x72: {  	_ =	shalt  }
0x73: {  	_ =	shalt  }
0x74: {  	_ =	shalt  }
0x75: {  	_ =	shalt  }
0x76: {  	_ =	shalt  }
0x77: {  	_ =	shalt  }
0x78: {  	_ =	shalt  }
0x79: {  	_ =	shalt  }
0x7a: {  	_ =	shalt  }
0x7b: {  	_ =	shalt  }
0x7c: {  	_ =	shalt  }
0x7d: {  	_ =	shalt  }
0x7e: {  	_ =	shalt  }
0x7f: {  	_ =	shalt  }
0x80: {  	_ =	shalt  }
0x81: {  	_ =	shalt  }
0x82: {  	_ =	shalt  }
0x83: {  	_ =	shalt  }
0x84: {  	_ =	shalt  }
0x85: {  	_ =	shalt  }
0x86: {  	_ =	shalt  }
0x87: {  	_ =	shalt  }
.Lfunc_end0:
.L_simem_size_0:
called_computation_lowered:
.L_overlay_start_0:
0x88: {  	s2 =	sld [smem:$0x3FD9]  }
0x89: {  	s3 =	sld [smem:$0x3FFE];
	_ =	sdelay $0x1  }
0x8a: {  	s1 =	srdreg.scid  }
0x8b: {  	s0 =	sand.u32 $0x1, s1  }
0x8c: {  	s14 =	sshll.u32 s0, $0xA;
	s2 =	sadd.s32 s3, s2  }
0x8d: {  	s2 =	sadd.s32 s2, s14  }
0x8e: {  	[smem:$0x3FBD] =	sst s2  }
0x8f: {  	_ = 	snop  }
0x90: {  	s2 =	sld [smem:$0x3FD0];
	_ =	sdelay $0x2  }
0x91: {  	s15 =	simm.s32 $0xA;
	s4 =	simm.s32 $0x10  }
0x92: {  	[smem:s4], [sflag:s15] =	dma.local [hbm:s2], $0x1  }
0x93: {  	_ =	swait.eq [sflag:s15], $0x1  }
0x94: {  	[sflag:s15] =	ssyncset.done $0x0  }
0x95: {  	[sflag:s15] =	ssyncadd.s32 $0xFFFFFFFF  }
0x96: {  	s16 =	sld [smem:$0x11];
	(tm) =	ssettm $0x1  }
0x97: {  	s17 =	sld [smem:$0x3FFB];
	_ =	sdelay $0x3  }
0x98: {  	_ =	strace s17  }
0x99: {  	s3 =	sld [smem:$0x3FFC];
	_ =	sdelay $0x3  }
0x9a: {  	_ =	strace s3  }
0x9b: {  	s3 =	sld [smem:$0x3FFD];
	_ =	sdelay $0x3  }
0x9c: {  	_ =	strace s3  }
0x9d: {  	_ =	strace $0x8FFFFFFF  }
0x9e: {  	s18 =	sld [smem:$0x3FDB];
	_ =	sdelay $0x1  }
0x9f: {  	s19 =	simm.s32 $_scs_section_size  }
0xa0: {  	s5 =	simm.s32 $_size__tile_overlayer_lowered;
	s6 =	simm.s32 $_tile_overlayer_lowered  }
0xa1: {  	s22 =	simm.s32 $0x1BFF;
	s21 =	sshll.u32 s6, $0x1;
	s3 =	sadd.s32 s19, s18  }
0xa2: {  	s7 =	simm.s32 $0x0;
	s20 =	sshll.u32 s5, $0x1;
	s5 =	sadd.s32 s21, s3  }
0xa3: {  	[timem:s7], [sflag:s22] =	dma.local [hbm:s5], s20  }
0xa4: {  	_ =	swait.ge [sflag:s22], s20  }
0xa5: {  	s4 =	ssub.s32 $0x0, s20;
	[sflag:s22] =	ssyncset.done $0x0  }
0xa6: {  	[sflag:s22] =	ssyncadd.s32 s4;
	_ =	sdelay $0x1  }
0xa7: {  	s23 =	simm.s32 $0x1B8B  }
0xa8: {  	_ =	swait.ge [sflag:s23], $0x1  }
0xa9: {  	[sflag:s23] =	ssyncset.done $0x0  }
0xaa: {  	s25 =	simm.s32 $0x1B8E;
	s24 =	sld [smem:$0x3FFE];
	[sflag:s23] =	ssyncadd.s32 $0xFFFFFFFF  }
0xab: {  	s26 =	simm.s32 $execute0_lowered;
	[smem:$0x3FD2] =	sst s25  }
0xac: {  	s5 =	sshll.u32 s26, $0x1;
	_ =	strace $0x80000046;
	[dreg:$0x1] =	wrdreg $0xFFFFFFFF  }
0xad: {  	s28 =	simm.s32 $_size_execute0_lowered;
	s3 =	sadd.s32 s3, s5;
	[dreg:$0x0] =	wrdreg $0x0  }
0xae: {  	s5 =	sshll.u32 s28, $0x1;
	[dreg:$0x2] =	wrdreg s3  }
0xaf: {  	[dreg:$0x3] =	wrdreg s5  }
0xb0: {  	[dreg:$0x4] =	wrdreg $0xC0  }
0xb1: {  	_ =	task [dreg:s7], $0x5FFFF  }
0xb2: {  	[dreg:$0x1] =	wrdreg $0xFFFFFFFF  }
0xb3: {  	[dreg:$0x0] =	wrdreg $0x60  }
0xb4: {  	[dreg:$0x2] =	wrdreg s16  }
0xb5: {  	[dreg:$0x3] =	wrdreg s24  }
0xb6: {  	[dreg:$0x4] =	wrdreg $0x9  }
0xb7: {  	_ =	task.clear_ibuf [dreg:s7], $0x5FFFF;
	_ =	strace $0x90000046  }
0xb8: {  	s29 =	simm.s32 $0x9;
	_ =	strace $0x80000048  }
0xb9: {  	_ =	swait.ge [sflag:s29], $0x1  }
0xba: {  	[sflag:s29] =	ssyncadd.s32 $0xFFFFFFFF  }
0xbb: {  	_ =	strace $0x90000048  }
0xbc: {  	_ =	sfence  }
0xbd: {  	s30 =	sld [smem:$0x0];
	_ =	sdelay $0x2  }
0xbe: {  	s31 =	sshll.u32 s1, $0xD;
	s1 =	sshrl.u32 s1, $0x2  }
0xbf: {  	s3 =	sand.u32 $0x4000, s31;
	s1 =	sadd.s32 s1, s30  }
0xc0: {  	s0 =	sor.u32 s3, s0;
	s1 =	sshll.u32 s1, $0x11  }
0xc1: {  	s0 =	sor.u32 s1, s0  }
0xc2: {  	s0 =	sadd.s32 $0x8F2B, s0  }
0xc3: {  	[sflag:s0] =	ssyncadd.remote.s32 $0x1  }
0xc4: {  	_ =	sfence.sel $0xFFFF  }
0xc5: {  	[dreg:$0x0] =	wrdreg $0xFFFFFFFF;
	(pc) =	sbr.abs _section_cstart, $3  }
0xc6: {  	[dreg:$0x1] =	wrdreg $0xFFFFFFFF  }
0xc7: {  	_ =	task.clear_ibuf [dreg:s7], $0x2FFFF;
	_ =	strace $0x9FFFFFFF  }
0xc8: {  	(tm) =	ssettm $0x7FFFFFFF  }
0xc9: {  	_ =	shalt  }
tec
execute0_lowered:
.L_overlay_start_1:
0x0: {  	(tag) =	ssettag $0x1  }
0x1: {  	s2 =	rddreg [dreg:$0x0]  }
0x2: {  	s0 =	rddreg [dreg:$0x1];
	s1 =	srdreg.scid  }
0x3: {  	s4 =	stileid.u32;
	s3 =	simm.s32 $0x0;
	s14 =	simm.s32 $0x5  }
0x4: {  	s15 =	simm.s32 $0x200;
	s16 =	simm.s32 $0xC8;
	s17 =	simm.s32 $0x400  }
0x5: {  	s19 =	simm.s32 $0x100;
	s20 =	simm.s32 $0x6;
	s21 =	simm.s32 $0x300  }
0x6: {  	s22 =	simm.s32 $0x6800;
	s23 =	simm.s32 $0x13000;
	s24 =	simm.s32 $0x1  }
0x7: {  	s25 =	simm.s32 $0x3;
	s26 =	simm.s32 $0x2;
	s28 =	simm.s32 $0x4  }
0x8: {  	s29 =	simm.s32 $0x0;
	s1 =	sand.u32 $0x1, s1;
	s4 =	sshll.u32 s4, $0x1  }
0x9: {  	[smem:$0x7FF] =	sst s3;
	s6 =	sadd.s32 $0x3000, s0;
	s5 =	sor.u32 s1, s4  }
0xa: {  	s7 =	sadd.s32 $0xCE00, s0;
	s1 =	ssub.s32 $0x2, s1;
	s5 =	smul.u32 $0x2710, s5  }
0xb: {  	s8 =	sadd.s32 $0x3DE00, s0;
	_ =	strace $0x80000047;
	s30 =	sshrl.u32 s1, $0x1  }
0xc: {  	s4 =	sadd.s32 $0x16C00, s0;
	s0 =	ssub.s32 s1, s30;
	s10 =	sshrl.u32 s5, $0x3  }
0xd: {  	s11 =	sadd.s32 $0xC8, s5;
	s12 =	sadd.s32 $0x190, s5;
	s31 =	sadd.s32 s6, s10  }
0xe: {  	s13 =	smax.u32 s0, $0x1;
	s10 =	sadd.s32 s7, s10;
	[dreg:$0x3] =	wrdreg s31  }
.LBB2_1:
0xf: {  	s0 =	rddreg [dreg:$0x3]  }
0x10: {  	[tilespmem:s3], [sflag:$0x5] =	stream.linear.gather [hbm4b:s0+s3], $0xC8, $0x38;
	[tilespmem:$0x19400] =	vst v63  }
0x11: {  	_ =	swait.ge [sflag:s14], $0xC8  }
0x12: {  	[sflag:s14] =	ssyncset.done $0x0  }
0x13: {  	[sflag:s14] =	ssyncadd.s32 $0xFFFFFF38  }
0x14: {  	[tilespmem:s15], [sflag:$0x5] =	stream.linear.gather [hbm4b:s10+s3], $0xC8, $0x38;
	[tilespmem:$0x19400] =	vst v63  }
0x15: {  	_ =	swait.ge [sflag:s14], $0xC8  }
0x16: {  	[sflag:s14] =	ssyncset.done $0x0  }
0x17: {  	[sflag:s14] =	ssyncadd.s32 $0xFFFFFF38  }
0x18: {  	[tilespmem:s17], [sflag:$0x1] =	stream.indirect.gather [hbm4b:s2+s16], $0x80, s3, s16, $0xb8;
	[tilespmem:$0x19400] =	vst v63  }
0x19: {  	s31 =	simm.s32 $0xCC00;
	s30 =	simm.s32 $0x0  }
0x1a: {  	[tilespmem:s31], [sflag:$0x3] =	stream.indirect.gather [hbm4b:s4+s16], $0x80, s15, s16, $0xb8;
	[tilespmem:$0x19400] =	vst v63  }
.LBB2_2:
0x1b: {  	s0 =	smul.u32 $0x190, s30;
	_ =	sdelay $0x1  }
0x1c: {  	s31 =	sadd.s32 s0, s11  }
0x1d: {  	s1 =	sshrl.u32 s31, $0x3  }
0x1e: {  	s9 =	simm.s32 $0x0;
	s18 =	sadd.s32 s6, s1  }
0x1f: {  	[tilespmem:s19], [sflag:$0x6] =	stream.linear.gather [hbm4b:s18+s9], $0xC8, $0x38;
	[tilespmem:$0x19400] =	vst v63  }
0x20: {  	_ =	swait.ge [sflag:s20], $0xC8  }
0x21: {  	[sflag:s20] =	ssyncset.done $0x0  }
0x22: {  	s1 =	sadd.s32 s7, s1;
	[sflag:s20] =	ssyncadd.s32 $0xFFFFFF38  }
0x23: {  	[tilespmem:s21], [sflag:$0x6] =	stream.linear.gather [hbm4b:s1+s9], $0xC8, $0x38;
	[tilespmem:$0x19400] =	vst v63  }
0x24: {  	_ =	swait.ge [sflag:s20], $0xC8  }
0x25: {  	[sflag:s20] =	ssyncset.done $0x0  }
0x26: {  	[sflag:s20] =	ssyncadd.s32 $0xFFFFFF38  }
0x27: {  	[tilespmem:s22], [sflag:$0x2] =	stream.indirect.gather [hbm4b:s2+s16], $0x80, s19, s16, $0xb8;
	[tilespmem:$0x19400] =	vst v63  }
0x28: {  	_ = 	snop  }
0x29: {  	[tilespmem:s23], [sflag:$0x4] =	stream.indirect.gather [hbm4b:s4+s16], $0x80, s21, s16, $0xb8;
	[tilespmem:$0x19400] =	vst v63  }
0x2a: {  	_ =	swait.ge [sflag:s24], $0x6400  }
0x2b: {  	[sflag:s24] =	ssyncset.done $0x0  }
0x2c: {  	[sflag:s24] =	ssyncadd.s32 $0xFFFF9C00  }
0x2d: {  	_ =	swait.ge [sflag:s25], $0x6400  }
0x2e: {  	[sflag:s25] =	ssyncset.done $0x0  }
0x2f: {  	s1 =	simm.s32 $0x0;
	[sflag:s25] =	ssyncadd.s32 $0xFFFF9C00  }
0x30: {  	v7 =	vld [tilespmem:s1+$0xCC00]  }
0x31: {  	v11 =	vld [tilespmem:s1+$0xCC10]  }
0x32: {  	v5 =	vld [tilespmem:s1+$0xCC20]  }
0x33: {  	v4 =	vld [tilespmem:s1+$0xCC30]  }
0x34: {  	v3 =	vld [tilespmem:s1+$0xCC40]  }
0x35: {  	v2 =	vld [tilespmem:s1+$0xCC50]  }
0x36: {  	v1 =	vld [tilespmem:s1+$0xCC60]  }
0x37: {  	v0 =	vld [tilespmem:s1+$0xCC70]  }
0x38: {  	v12 =	vld [tilespmem:s1+$0x400]  }
0x39: {  	v13 =	vld [tilespmem:s1+$0x410]  }
0x3a: {  	v10 =	vld [tilespmem:s1+$0x420]  }
0x3b: {  	v9 =	vld [tilespmem:s1+$0x430]  }
0x3c: {  	v8 =	vld [tilespmem:s1+$0x440]  }
0x3d: {  	v6 =	vld [tilespmem:s1+$0x450];
	v12 =	vadd.f32 v7, v12  }
0x3e: {  	s18 =	simm.s32 $0x200;
	v11 =	vadd.f32 v11, v13;
	v7 =	vld [tilespmem:s1+$0x460]  }
.LBB2_3:
0x3f: {  	s9 =	sshra.s32 s18, $0x2;
	p0 =	sne.s32 s18, $0x18E00;
	[tilespmem:s1+$0x400] =	vst v12;
	v5 =	vadd.f32 v5, v10;
	v10 =	vld [tilespmem:s1+$0x470]  }
0x40: {  	v12 =	vld [tilespmem:s9+$0xCC00];
	[tilespmem:s1+$0x410] =	vst v11;
	v4 =	vadd.f32 v4, v9  }
0x41: {  	v11 =	vld [tilespmem:s9+$0xCC10];
	[tilespmem:s1+$0x420] =	vst v5;
	v3 =	vadd.f32 v3, v8  }
0x42: {  	v5 =	vld [tilespmem:s9+$0xCC20];
	[tilespmem:s1+$0x430] =	vst v4;
	v2 =	vadd.f32 v2, v6  }
0x43: {  	v4 =	vld [tilespmem:s9+$0xCC30];
	[tilespmem:s1+$0x440] =	vst v3;
	v1 =	vadd.f32 v1, v7  }
0x44: {  	v3 =	vld [tilespmem:s9+$0xCC40];
	[tilespmem:s1+$0x450] =	vst v2;
	v0 =	vadd.f32 v0, v10  }
0x45: {  	v2 =	vld [tilespmem:s9+$0xCC50];
	[tilespmem:s1+$0x460] =	vst v1  }
0x46: {  	v1 =	vld [tilespmem:s9+$0xCC60];
	[tilespmem:s1+$0x470] =	vst v0;
	s1 =	smov.u32 s9  }
0x47: {  	v0 =	vld [tilespmem:s1+$0xCC70]  }
0x48: {  	v6 =	vld [tilespmem:s1+$0x400]  }
0x49: {  	v7 =	vld [tilespmem:s1+$0x410]  }
.Ltmp0:
0x4a: {  	v10 =	vld [tilespmem:s1+$0x420];
	(pc) =	sbr.rel @p0 .LBB2_3-.Ltmp0, $4  }
0x4b: {  	v9 =	vld [tilespmem:s1+$0x430]  }
0x4c: {  	v8 =	vld [tilespmem:s1+$0x440]  }
0x4d: {  	v12 =	vadd.f32 v12, v6;
	v6 =	vld [tilespmem:s1+$0x450]  }
0x4e: {  	s18 =	sadd.s32 $0x200, s18;
	v11 =	vadd.f32 v11, v7;
	v7 =	vld [tilespmem:s1+$0x460]  }
0x4f: {  	[tilespmem:s1+$0x400] =	vst v12;
	v5 =	vadd.f32 v5, v10;
	v10 =	vld [tilespmem:s1+$0x470]  }
0x50: {  	[tilespmem:s1+$0x410] =	vst v11;
	v4 =	vadd.f32 v4, v9  }
0x51: {  	[tilespmem:s1+$0x420] =	vst v5;
	v3 =	vadd.f32 v3, v8  }
0x52: {  	[tilespmem:s1+$0x430] =	vst v4;
	v2 =	vadd.f32 v2, v6  }
0x53: {  	[tilespmem:s1+$0x440] =	vst v3;
	v1 =	vadd.f32 v1, v7  }
0x54: {  	s9 =	sadd.s32 s5, s0;
	[tilespmem:s1+$0x450] =	vst v2;
	v0 =	vadd.f32 v0, v10  }
0x55: {  	s9 =	sshll.u32 s9, $0x4;
	[tilespmem:s1+$0x460] =	vst v1  }
0x56: {  	p0 =	seq.s32 s30, $0x18;
	s18 =	sadd.s32 s8, s9;
	[tilespmem:s1+$0x470] =	vst v0  }
0x57: {  	[hbm4b:s18+s3] =	stream.linear.scatter [tilespmem:s17], [sflag:$0x6], $0x6400, $0x38;
	[tilespmem:$0x19400] =	vst v63  }
0x58: {  	s0 =	sadd.s32 @!p0 s0, s12;
	_ =	swait.ge [sflag:s20], $0x6400  }
0x59: {  	s0 =	sshrl.u32 @!p0 s0, $0x3;
	[sflag:s20] =	ssyncset.done $0x0  }
0x5a: {  	s9 =	simm.s32 @!p0 $0x0;
	s1 =	sadd.s32 @!p0 s6, s0;
	[sflag:s20] =	ssyncadd.s32 $0xFFFF9C00  }
0x5b: {  	[tilespmem:s9], [sflag:$0x6] =	stream.linear.gather @!p0 [hbm4b:s1+s9], $0xC8, $0x38;
	[tilespmem:$0x19400] =	vst v63  }
0x5c: {  	s1 =	simm.s32 @!p0 $0x6  }
0x5d: {  	_ =	swait.ge @!p0 [sflag:s1], $0xC8  }
0x5e: {  	[sflag:s1] =	ssyncset.done @!p0 $0x0  }
0x5f: {  	s0 =	sadd.s32 @!p0 s7, s0;
	s18 =	simm.s32 @!p0 $0x200;
	[sflag:s1] =	ssyncadd.s32 @!p0 $0xFFFFFF38  }
0x60: {  	[tilespmem:s18], [sflag:$0x6] =	stream.linear.gather @!p0 [hbm4b:s0+s9], $0xC8, $0x38;
	[tilespmem:$0x19400] =	vst v63  }
0x61: {  	_ =	swait.ge @!p0 [sflag:s1], $0xC8  }
0x62: {  	[sflag:s1] =	ssyncset.done @!p0 $0x0  }
0x63: {  	s0 =	simm.s32 @!p0 $0xC8;
	[sflag:s1] =	ssyncadd.s32 @!p0 $0xFFFFFF38;
	s1 =	simm.s32 @!p0 $0x400  }
0x64: {  	[tilespmem:s1], [sflag:$0x1] =	stream.indirect.gather @!p0 [hbm4b:s2+s0], $0x80, s9, s0, $0xb8;
	[tilespmem:$0x19400] =	vst v63  }
0x65: {  	s1 =	simm.s32 @!p0 $0xCC00  }
0x66: {  	[tilespmem:s1], [sflag:$0x3] =	stream.indirect.gather @!p0 [hbm4b:s4+s0], $0x80, s18, s0, $0xb8;
	[tilespmem:$0x19400] =	vst v63  }
0x67: {  	_ =	swait.ge [sflag:s26], $0x6400  }
0x68: {  	[sflag:s26] =	ssyncset.done $0x0  }
0x69: {  	[sflag:s26] =	ssyncadd.s32 $0xFFFF9C00  }
0x6a: {  	_ =	swait.ge [sflag:s28], $0x6400  }
0x6b: {  	[sflag:s28] =	ssyncset.done $0x0  }
0x6c: {  	s0 =	simm.s32 $0x0;
	[sflag:s28] =	ssyncadd.s32 $0xFFFF9C00  }
0x6d: {  	v7 =	vld [tilespmem:s0+$0x13000]  }
0x6e: {  	v11 =	vld [tilespmem:s0+$0x13010]  }
0x6f: {  	v5 =	vld [tilespmem:s0+$0x13020]  }
0x70: {  	v4 =	vld [tilespmem:s0+$0x13030]  }
0x71: {  	v3 =	vld [tilespmem:s0+$0x13040]  }
0x72: {  	v2 =	vld [tilespmem:s0+$0x13050]  }
0x73: {  	v1 =	vld [tilespmem:s0+$0x13060]  }
0x74: {  	v0 =	vld [tilespmem:s0+$0x13070]  }
0x75: {  	v12 =	vld [tilespmem:s0+$0x6800]  }
0x76: {  	v13 =	vld [tilespmem:s0+$0x6810]  }
0x77: {  	v10 =	vld [tilespmem:s0+$0x6820]  }
0x78: {  	v9 =	vld [tilespmem:s0+$0x6830]  }
0x79: {  	v8 =	vld [tilespmem:s0+$0x6840]  }
0x7a: {  	v6 =	vld [tilespmem:s0+$0x6850];
	v12 =	vadd.f32 v7, v12  }
0x7b: {  	s1 =	simm.s32 $0x200;
	v11 =	vadd.f32 v11, v13;
	v7 =	vld [tilespmem:s0+$0x6860]  }
.LBB2_5:
0x7c: {  	s9 =	sshra.s32 s1, $0x2;
	p0 =	sne.s32 s1, $0x18E00;
	[tilespmem:s0+$0x6800] =	vst v12;
	v5 =	vadd.f32 v5, v10;
	v10 =	vld [tilespmem:s0+$0x6870]  }
0x7d: {  	v12 =	vld [tilespmem:s9+$0x13000];
	[tilespmem:s0+$0x6810] =	vst v11;
	v4 =	vadd.f32 v4, v9  }
0x7e: {  	v11 =	vld [tilespmem:s9+$0x13010];
	[tilespmem:s0+$0x6820] =	vst v5;
	v3 =	vadd.f32 v3, v8  }
0x7f: {  	v5 =	vld [tilespmem:s9+$0x13020];
	[tilespmem:s0+$0x6830] =	vst v4;
	v2 =	vadd.f32 v2, v6  }
0x80: {  	v4 =	vld [tilespmem:s9+$0x13030];
	[tilespmem:s0+$0x6840] =	vst v3;
	v1 =	vadd.f32 v1, v7  }
0x81: {  	v3 =	vld [tilespmem:s9+$0x13040];
	[tilespmem:s0+$0x6850] =	vst v2;
	v0 =	vadd.f32 v0, v10  }
0x82: {  	v2 =	vld [tilespmem:s9+$0x13050];
	[tilespmem:s0+$0x6860] =	vst v1  }
0x83: {  	v1 =	vld [tilespmem:s9+$0x13060];
	[tilespmem:s0+$0x6870] =	vst v0;
	s0 =	smov.u32 s9  }
0x84: {  	v0 =	vld [tilespmem:s0+$0x13070]  }
0x85: {  	v6 =	vld [tilespmem:s0+$0x6800]  }
0x86: {  	v7 =	vld [tilespmem:s0+$0x6810]  }
.Ltmp1:
0x87: {  	v10 =	vld [tilespmem:s0+$0x6820];
	(pc) =	sbr.rel @p0 .LBB2_5-.Ltmp1, $4  }
0x88: {  	v9 =	vld [tilespmem:s0+$0x6830]  }
0x89: {  	v8 =	vld [tilespmem:s0+$0x6840]  }
0x8a: {  	v12 =	vadd.f32 v12, v6;
	v6 =	vld [tilespmem:s0+$0x6850]  }
0x8b: {  	s1 =	sadd.s32 $0x200, s1;
	v11 =	vadd.f32 v11, v7;
	v7 =	vld [tilespmem:s0+$0x6860]  }
0x8c: {  	[tilespmem:s0+$0x6800] =	vst v12;
	v5 =	vadd.f32 v5, v10;
	v63 =	vld [tilespmem:s0+$0x6870]  }
0x8d: {  	[tilespmem:s0+$0x6810] =	vst v11;
	v4 =	vadd.f32 v4, v9  }
0x8e: {  	[tilespmem:s0+$0x6820] =	vst v5;
	v3 =	vadd.f32 v3, v8  }
0x8f: {  	[tilespmem:s0+$0x6830] =	vst v4;
	v2 =	vadd.f32 v2, v6  }
0x90: {  	[tilespmem:s0+$0x6840] =	vst v3;
	v1 =	vadd.f32 v1, v7  }
0x91: {  	s30 =	sadd.s32 $0x1, s30;
	[tilespmem:s0+$0x6850] =	vst v2;
	v0 =	vadd.f32 v0, v63  }
0x92: {  	s1 =	sshll.u32 s31, $0x4;
	p0 =	sne.s32 s30, $0x19;
	[tilespmem:s0+$0x6860] =	vst v1  }
.Ltmp2:
0x93: {  	s31 =	sadd.s32 s8, s1;
	[tilespmem:s0+$0x6870] =	vst v0;
	(pc) =	sbr.rel @p0 .LBB2_2-.Ltmp2, $4  }
0x94: {  	[hbm4b:s31+s3] =	stream.linear.scatter [tilespmem:s22], [sflag:$0x5], $0x6400, $0x38;
	[tilespmem:$0x19400] =	vst v63  }
0x95: {  	_ =	swait.ge [sflag:s14], $0x6400  }
0x96: {  	[sflag:s14] =	ssyncset.done $0x0  }
0x97: {  	[sflag:s14] =	ssyncadd.s32 $0xFFFF9C00  }
0x98: {  	s29 =	sadd.s32 $0x1, s29  }
0x99: {  	p0 =	sne.s32 s29, s13  }
.Ltmp3:
0x9a: {  	_ = 	snop;
	(pc) =	sbr.rel @p0 .LBB2_1-.Ltmp3, $1  }
0x9b: {  	_ =	sdelay $0x3  }
0x9c: {  	_ =	sfence.sel $0x180000  }
0x9d: {  	[bflag:$0x0] =	sbarrier.arrive $0xFFFF  }
0x9e: {  	_ =	strace $0x90000047  }
0x9f: {  	s0 =	stileid.u32;
	[bflag:$0x2] =	sbarrier.arrive $0xFFFF  }
0xa0: {  	p0 =	sne.s32 s0, $0x0;
	s0 =	rddreg [dreg:$0x2]  }
0xa1: {  	s0 =	sadd.s32 @!p0 $0x100000, s0  }
0xa2: {  	[sflag:s0] =	ssyncadd.tile.s32 @!p0 $0x1;
	_ =	shalt  }
.Lfunc_end2:
_tile_overlayer_lowered:
.L_overlay_start_2:
0xa3: {  	(tag) =	ssettag $0x2  }
0xa4: {  	s0 =	rddreg [dreg:$0x0];
	s2 =	stileid.u32  }
0xa5: {  	s1 =	rddreg [dreg:$0x1];
	p0 =	sne.s32 s2, $0x0  }
0xa6: {  	s3 =	rddreg [dreg:$0x2];
	[bflag:$0x3] =	sbarrier.arrive $0xFFFF;
	s2 =	simm.s32 @!p0 $0x1C05  }
0xa7: {  	[timem:s3], [sflag:s2] =	dma.local @!p0 [hbm:s0], s1  }
0xa8: {  	s0 =	simm.s32 @!p0 $0x5  }
0xa9: {  	_ =	swait.ge @!p0 [sflag:s0], s1  }
0xaa: {  	s1 =	ssub.s32 @!p0 $0x0, s1;
	[sflag:s0] =	ssyncset.done @!p0 $0x0  }
0xab: {  	[sflag:s0] =	ssyncadd.s32 @!p0 s1  }
0xac: {  	[bflag:$0x3] =	sbarrier.arrive $0xFFFF  }
0xad: {  	_ =	shalt  }

</sc_bundles>
